<compile_context>
chip_gen: v7x
topology: tpu7x:2x2x1
jax: 0.10.2.dev20260603
libtpu: 0.0.44.dev20260713+nightly
codegen_flags: <defaults>
</compile_context>

<pallas_src>
import functools
import jax
import jax.numpy as jnp
from jax import lax
from jax.experimental import pallas as pl
from jax.experimental.pallas import tpu as pltpu
from jax.experimental.pallas import tpu_sc as plsc

N = 10000
E = 640000
H = 16
G = 64
ALPHA = 0.2

NP = 10240
NW = 32
EPW = E // NW
TAIL = 32
ROWS_PER_SUB = NP // 16
_CFG = {16: (512, 8, 4), 64: (192, 3, 2)}


def _pre_body(feat_ref, watt_ref, aatt_ref, h1_ref):
    h = jnp.dot(feat_ref[...], watt_ref[...],
                preferred_element_type=jnp.float32)
    e = jnp.dot(h, aatt_ref[...], preferred_element_type=jnp.float32)
    e = jnp.where(e > 0, e, ALPHA * e)
    att = jax.nn.sigmoid(e)
    v = att * h
    h1_ref[:N, :] = jnp.where(v > 0, v, jnp.exp(jnp.minimum(v, 0.0)) - 1.0)
    h1_ref[N:, :] = jnp.zeros((NP - N, H), jnp.float32)


def _pre_call(feat, watt, aatt):
    return pl.pallas_call(
        _pre_body,
        out_shape=jax.ShapeDtypeStruct((NP, H), jnp.float32),
    )(feat, watt, aatt)


def _gh_body(x_ref, whh_ref, bhh_ref, gh_ref):
    gh_ref[...] = jnp.dot(x_ref[...], whh_ref[...],
                          preferred_element_type=jnp.float32) + bhh_ref[...]


def _gh_call(x, whh_t, bhh):
    return pl.pallas_call(
        _gh_body,
        out_shape=jax.ShapeDtypeStruct((NP, 3 * G), jnp.float32),
    )(x, whh_t, bhh)


@functools.lru_cache(maxsize=None)
def _make_seg_sum(width):
    CHUNK, NBUF, LOOKAHEAD = _CFG[width]
    NCHUNK = (EPW - TAIL) // CHUNK
    mesh = plsc.VectorSubcoreMesh(core_axis_name="c", subcore_axis_name="s")

    @functools.partial(
        pl.kernel,
        out_type=jax.ShapeDtypeStruct((2, NP, 128), jnp.float32),
        mesh=mesh,
        compiler_params=pltpu.CompilerParams(use_tc_tiling_on_sc=False),
        scratch_types=[
            pltpu.VMEM((2, EPW), jnp.int32),
            pltpu.VMEM((NBUF, CHUNK, width), jnp.float32),
            pltpu.VMEM_SHARED((NP, width), jnp.float32),
            pltpu.SemaphoreType.DMA((NBUF,)),
            pltpu.SemaphoreType.DMA((NBUF,)),
        ],
    )
    def seg_sum(m_hbm, eix_hbm, zeros_hbm, out_hbm,
                idx_v, rows_v, agg_sh, gsem, ssem):
        c = lax.axis_index("c")
        s = lax.axis_index("s")
        wid = s * 2 + c
        base = wid * EPW
        pltpu.sync_copy(zeros_hbm,
                        agg_sh.at[pl.ds(s * ROWS_PER_SUB, ROWS_PER_SUB)])
        pltpu.sync_copy(eix_hbm.at[:, pl.ds(base, EPW)], idx_v)
        plsc.subcore_barrier()

        for b in range(LOOKAHEAD):
            pltpu.async_copy(
                m_hbm.at[idx_v.at[0, pl.ds(b * CHUNK, CHUNK)]],
                rows_v.at[b], gsem.at[b])

        def body(j, carry):
            nj = j + LOOKAHEAD

            @pl.when(nj < NCHUNK)
            def _issue():
                b2 = lax.rem(nj, NBUF)

                @pl.when(nj >= NBUF)
                def _wait_scatter():
                    pltpu.make_async_copy(
                        rows_v.at[b2],
                        agg_sh.at[idx_v.at[1, pl.ds((nj - NBUF) * CHUNK,
                                                    CHUNK)]],
                        ssem.at[b2]).wait()

                pltpu.async_copy(
                    m_hbm.at[idx_v.at[0, pl.ds(nj * CHUNK, CHUNK)]],
                    rows_v.at[b2], gsem.at[b2])

            b = lax.rem(j, NBUF)
            pltpu.make_async_copy(
                m_hbm.at[idx_v.at[0, pl.ds(j * CHUNK, CHUNK)]],
                rows_v.at[b], gsem.at[b]).wait()
            pltpu.async_copy(
                rows_v.at[b],
                agg_sh.at[idx_v.at[1, pl.ds(j * CHUNK, CHUNK)]],
                ssem.at[b], add=True)
            return carry

        lax.fori_loop(0, NCHUNK, body, 0)

        for k in range(NBUF):
            j = NCHUNK - NBUF + k
            b = j % NBUF
            pltpu.make_async_copy(
                rows_v.at[b],
                agg_sh.at[idx_v.at[1, pl.ds(j * CHUNK, CHUNK)]],
                ssem.at[b]).wait()

        toff = NCHUNK * CHUNK
        pltpu.async_copy(
            m_hbm.at[idx_v.at[0, pl.ds(toff, TAIL)]],
            rows_v.at[0, pl.ds(0, TAIL)], gsem.at[0]).wait()
        pltpu.sync_copy(
            rows_v.at[0, pl.ds(0, TAIL)],
            agg_sh.at[idx_v.at[1, pl.ds(toff, TAIL)]], add=True)

        plsc.subcore_barrier()
        pltpu.sync_copy(
            agg_sh.at[pl.ds(s * ROWS_PER_SUB, ROWS_PER_SUB)],
            out_hbm.at[c, pl.ds(s * ROWS_PER_SUB, ROWS_PER_SUB),
                       pl.ds(0, width)])

    return seg_sum


def _seg_sum(m, eix, zeros_stripe):
    return _make_seg_sum(m.shape[-1])(m, eix, zeros_stripe)


def _gru_gates(gi, gh, x):
    r = jax.nn.sigmoid(gi[:, :G] + gh[:, :G])
    z = jax.nn.sigmoid(gi[:, G:2 * G] + gh[:, G:2 * G])
    n = jnp.tanh(gi[:, 2 * G:] + r * gh[:, 2 * G:])
    return (1.0 - z) * n + z * x


RB = 2048
NRB = NP // RB


def _gru_mid_body(part_ref, h1_ref, gh_ref, w0g_ref, wih_ref, bih_ref,
                  w1_ref, x1_ref, m1_ref):
    agg16 = part_ref[0, :, :H] + part_ref[1, :, :H]
    w16 = jnp.dot(w0g_ref[...], wih_ref[...],
                  preferred_element_type=jnp.float32)
    gi = jnp.dot(agg16, w16, preferred_element_type=jnp.float32)
    gi = gi + bih_ref[...]
    x0 = jnp.concatenate(
        [h1_ref[...], jnp.zeros((RB, G - H), dtype=jnp.float32)], axis=1)
    x1 = _gru_gates(gi, gh_ref[...], x0)
    x1_ref[...] = x1
    m1_ref[...] = jnp.dot(x1, w1_ref[...], preferred_element_type=jnp.float32)


def _gru_mid_call(part, h1, gh, w0g, wih_t, bih, w1):
    return pl.pallas_call(
        _gru_mid_body,
        grid=(NRB,),
        in_specs=[
            pl.BlockSpec((2, RB, 128), lambda i: (0, i, 0)),
            pl.BlockSpec((RB, H), lambda i: (i, 0)),
            pl.BlockSpec((RB, 3 * G), lambda i: (i, 0)),
            pl.BlockSpec((H, G), lambda i: (0, 0)),
            pl.BlockSpec((G, 3 * G), lambda i: (0, 0)),
            pl.BlockSpec((1, 3 * G), lambda i: (0, 0)),
            pl.BlockSpec((G, G), lambda i: (0, 0)),
        ],
        out_specs=[
            pl.BlockSpec((RB, G), lambda i: (i, 0)),
            pl.BlockSpec((RB, G), lambda i: (i, 0)),
        ],
        out_shape=[
            jax.ShapeDtypeStruct((NP, G), jnp.float32),
            jax.ShapeDtypeStruct((NP, G), jnp.float32),
        ],
    )(part, h1, gh, w0g, wih_t, bih, w1)


def _gru_fin_body(part_ref, x_ref, gh_ref, wih_ref, bih_ref,
                  outw_ref, outb_ref, out_ref):
    i = pl.program_id(0)
    agg = part_ref[0, :, :G] + part_ref[1, :, :G]
    gi = jnp.dot(agg, wih_ref[...], preferred_element_type=jnp.float32)
    gi = gi + bih_ref[...]
    x2 = _gru_gates(gi, gh_ref[...], x_ref[...])
    res = jnp.dot(x2, outw_ref[...], preferred_element_type=jnp.float32)
    res = res + outb_ref[...]
    rows = lax.broadcasted_iota(jnp.int32, (RB, 2), 0) + i * RB
    res = jnp.where(rows < N, res, 0.0)
    a2 = jnp.sum(res, axis=0, keepdims=True)

    @pl.when(i == 0)
    def _init():
        out_ref[...] = a2

    @pl.when(i > 0)
    def _acc():
        out_ref[...] = out_ref[...] + a2

    @pl.when(i == NRB - 1)
    def _fin():
        out_ref[...] = jax.nn.softmax(out_ref[...], axis=-1)


def _gru_fin_call(part, x, gh, wih_t, bih, outw, outb):
    return pl.pallas_call(
        _gru_fin_body,
        grid=(NRB,),
        in_specs=[
            pl.BlockSpec((2, RB, 128), lambda i: (0, i, 0)),
            pl.BlockSpec((RB, G), lambda i: (i, 0)),
            pl.BlockSpec((RB, 3 * G), lambda i: (i, 0)),
            pl.BlockSpec((G, 3 * G), lambda i: (0, 0)),
            pl.BlockSpec((1, 3 * G), lambda i: (0, 0)),
            pl.BlockSpec((G, 2), lambda i: (0, 0)),
            pl.BlockSpec((1, 2), lambda i: (0, 0)),
        ],
        out_specs=pl.BlockSpec((1, 2), lambda i: (0, 0)),
        out_shape=jax.ShapeDtypeStruct((1, 2), jnp.float32),
    )(part, x, gh, wih_t, bih, outw, outb)


def kernel(features1, edge_index1, edgesAttr1, adjacency1,
           node2node_features1, W_att, a_att, ggnn_w, gru_wih, gru_whh,
           gru_bih, gru_bhh, out_W, out_b):
    f32 = jnp.float32
    eix = edge_index1.astype(jnp.int32)
    zeros_h = jnp.zeros((ROWS_PER_SUB, H), f32)
    zeros_g = jnp.zeros((ROWS_PER_SUB, G), f32)

    wih_t = gru_wih.T.astype(f32)
    whh_t = gru_whh.T.astype(f32)
    bih = gru_bih.reshape(1, 3 * G).astype(f32)
    bhh = gru_bhh.reshape(1, 3 * G).astype(f32)
    outb = out_b.reshape(1, 2).astype(f32)

    h1 = _pre_call(features1.astype(f32), W_att.astype(f32),
                   a_att.astype(f32))
    part0 = _seg_sum(h1, eix, zeros_h)
    gh0 = _gh_call(h1, whh_t[:H, :], bhh)
    w0g = ggnn_w[0][:H, :].astype(f32)
    x1, m1 = _gru_mid_call(part0, h1, gh0, w0g, wih_t, bih,
                           ggnn_w[1].astype(f32))
    part1 = _seg_sum(m1, eix, zeros_g)
    gh1 = _gh_call(x1, whh_t, bhh)
    out = _gru_fin_call(part1, x1, gh1, wih_t, bih,
                        out_W.astype(f32), outb)
    return out

# --- scband reference (transcript-rebuilt; emitter-appended) ---
"""Pipeline reference for scband-vulnerability-detection-84902913508093 (READ-ONLY COPY).

The authoritative reference and input builder live on the scoring server;
editing this copy changes nothing except your own understanding.
"""

import jax, jax.numpy as jnp
import numpy as np

N = 10000
E = 640000
H = 16
G = 64
ALPHA = 0.2


def setup_inputs(seed: int = 0):
    key = jax.random.key(seed)
    ks = jax.random.split(key, 16)
    inp = {}
    inp['features1'] = jax.random.normal(ks[0], (N, H), dtype=jnp.float32)
    inp['edge_index1'] = jax.random.randint(ks[1], (2, E), 0, N)
    inp['edgesAttr1'] = jax.random.normal(ks[2], (E, 16), dtype=jnp.float32)
    inp['adjacency1'] = jax.random.normal(ks[3], (2048, 2048), dtype=jnp.float32)
    inp['node2node_features1'] = jax.random.normal(ks[4], (2048, H), dtype=jnp.float32)
    s = 0.1
    inp['W_att'] = jax.random.normal(ks[5], (H, H), dtype=jnp.float32) * s
    inp['a_att'] = jax.random.normal(ks[6], (H, 1), dtype=jnp.float32) * s
    inp['ggnn_w'] = jax.random.normal(ks[7], (2, G, G), dtype=jnp.float32) * s
    inp['gru_wih'] = jax.random.normal(ks[8], (3 * G, G), dtype=jnp.float32) * s
    inp['gru_whh'] = jax.random.normal(ks[9], (3 * G, G), dtype=jnp.float32) * s
    inp['gru_bih'] = jnp.zeros((3 * G,), dtype=jnp.float32)
    inp['gru_bhh'] = jnp.zeros((3 * G,), dtype=jnp.float32)
    inp['out_W'] = jax.random.normal(ks[10], (G, 2), dtype=jnp.float32) * s
    inp['out_b'] = jnp.zeros((2,), dtype=jnp.float32)
    return inp


def reference(features1, edge_index1, edgesAttr1, adjacency1, node2node_features1, W_att, a_att, ggnn_w, gru_wih, gru_whh, gru_bih, gru_bhh, out_W, out_b):
    # SingleNodeAttentionLayer: per-node gated GAT-style transform (reconstructed)
    h = features1 @ W_att
    e = jax.nn.leaky_relu(h @ a_att, negative_slope=ALPHA)
    att = jax.nn.sigmoid(e)
    h1 = jax.nn.elu(att * h)
    # GatedGraphConv(out_channels=64, num_layers=2): pad 16 -> 64, propagate + GRU
    x = jnp.pad(h1, ((0, 0), (0, G - H)))
    src = edge_index1[0]
    dst = edge_index1[1]
    for i in range(2):
        m = x @ ggnn_w[i]
        agg = jax.ops.segment_sum(m[src], dst, num_segments=N)
        gi = agg @ gru_wih.T + gru_bih
        gh = x @ gru_whh.T + gru_bhh
        r = jax.nn.sigmoid(gi[:, :G] + gh[:, :G])
        z = jax.nn.sigmoid(gi[:, G:2 * G] + gh[:, G:2 * G])
        n = jnp.tanh(gi[:, 2 * G:] + r * gh[:, 2 * G:])
        x = (1.0 - z) * n + z * x
    res = x @ out_W + out_b
    a2 = jnp.sum(res, axis=0, keepdims=True)
    out = jax.nn.softmax(a2, axis=-1)
    # dead-code adjacency concat from original forward (does not affect output)
    _adj = jnp.concatenate([adjacency1, adjacency1.T], axis=1)
    return out

if __name__ == "__main__":
    import jax
    _d = setup_inputs()
    print(jax.jit(kernel)(*tuple(_d.values())))

</pallas_src>

<mosaic_0001>
#map = affine_map<(d0, d1) -> (0, 0)>
#map1 = affine_map<(d0, d1) -> (0, 0, 0)>
module attributes {stable_mosaic.version = 14 : i64} {
  func.func @seg_sum(%arg0: i32, %arg1: i32, %arg2: memref<10240x64xf32, #tpu.memory_space<hbm>>, %arg3: memref<2x640000xi32, #tpu.memory_space<hbm>>, %arg4: memref<640x64xf32, #tpu.memory_space<hbm>>, %arg5: memref<2x10240x128xf32, #tpu.memory_space<hbm>>, %arg6: memref<2x20000xi32, #tpu.memory_space<vmem>>, %arg7: memref<3x192x64xf32, #tpu.memory_space<vmem>>, %arg8: memref<10240x64xf32, #tpu.memory_space<vmem_shared>>, %arg9: memref<3x!tpu.dma_semaphore, #tpu.memory_space<semaphore_mem>>, %arg10: memref<3x!tpu.dma_semaphore, #tpu.memory_space<semaphore_mem>>) attributes {dimension_semantics = [#tpu.dimension_semantics<core_parallel>, #tpu.dimension_semantics<subcore_parallel>], iteration_bounds = array<i64: 2, 16>, scalar_prefetch = 0 : i64, scratch_operands = 5 : i64, tpu.core_type = #tpu.core_type<sc_vector_subcore>, window_params = [{transform_indices = #map}, {transform_indices = #map}, {transform_indices = #map}, {transform_indices = #map1}]} {
    %mul3A = arith.constant 2 : i32
    %mul3A_0 = arith.muli %arg1, %mul3A : i32
    %add3A = arith.addi %mul3A_0, %arg0 : i32
    %mul3A_1 = arith.constant 20000 : i32
    %mul3A_2 = arith.muli %add3A, %mul3A_1 : i32
    %mul3A_3 = arith.constant 640 : i32
    %mul3A_4 = arith.muli %arg1, %mul3A_3 : i32
    "tpu.region"() ({
      %run_scoped3A_119 = tpu.sem_alloc : memref<!tpu.dma_semaphore, #tpu.memory_space<semaphore_mem>>
      %dma_start3A_120 = arith.constant 0 : i32
      %dma_start3A_121 = tpu.memref_slice %arg8[%mul3A_4, %dma_start3A_120] : memref<10240x64xf32, #tpu.memory_space<vmem_shared>> -> memref<640x64xf32, #tpu.memory_space<vmem_shared>>
      tpu.enqueue_dma source(%arg4 : memref<640x64xf32, #tpu.memory_space<hbm>>) target(%dma_start3A_121 : memref<640x64xf32, #tpu.memory_space<vmem_shared>>) target_semaphore(%run_scoped3A_119 : memref<!tpu.dma_semaphore, #tpu.memory_space<semaphore_mem>>)
      %dma_wait3A_122 = arith.constant 0 : i32
      %dma_wait3A_123 = tpu.memref_slice %arg8[%mul3A_4, %dma_wait3A_122] : memref<10240x64xf32, #tpu.memory_space<vmem_shared>> -> memref<640x64xf32, #tpu.memory_space<vmem_shared>>
      tpu.wait_dma2 semaphore(%run_scoped3A_119 : memref<!tpu.dma_semaphore, #tpu.memory_space<semaphore_mem>>) src(%arg4 : memref<640x64xf32, #tpu.memory_space<hbm>>) dst(%dma_wait3A_123 : memref<640x64xf32, #tpu.memory_space<vmem_shared>>)
      tpu.yield
    }) : () -> ()
    "tpu.region"() ({
      %run_scoped3A_119 = tpu.sem_alloc : memref<!tpu.dma_semaphore, #tpu.memory_space<semaphore_mem>>
      %dma_start3A_120 = arith.constant 0 : i32
      %dma_start3A_121 = tpu.memref_slice %arg3[%dma_start3A_120, %mul3A_2] : memref<2x640000xi32, #tpu.memory_space<hbm>> -> memref<2x20000xi32, #tpu.memory_space<hbm>>
      %dma_start3A_122 = arith.constant 0 : i32
      %dma_start3A_123 = tpu.memref_slice %arg3[%dma_start3A_122, %mul3A_2] : memref<2x640000xi32, #tpu.memory_space<hbm>> -> memref<2x20000xi32, #tpu.memory_space<hbm>>
      tpu.enqueue_dma source(%dma_start3A_123 : memref<2x20000xi32, #tpu.memory_space<hbm>>) target(%arg6 : memref<2x20000xi32, #tpu.memory_space<vmem>>) target_semaphore(%run_scoped3A_119 : memref<!tpu.dma_semaphore, #tpu.memory_space<semaphore_mem>>)
      %dma_wait3A_124 = arith.constant 0 : i32
      %dma_wait3A_125 = tpu.memref_slice %arg3[%dma_wait3A_124, %mul3A_2] : memref<2x640000xi32, #tpu.memory_space<hbm>> -> memref<2x20000xi32, #tpu.memory_space<hbm>>
      %dma_wait3A_126 = arith.constant 0 : i32
      %dma_wait3A_127 = tpu.memref_slice %arg3[%dma_wait3A_126, %mul3A_2] : memref<2x640000xi32, #tpu.memory_space<hbm>> -> memref<2x20000xi32, #tpu.memory_space<hbm>>
      tpu.wait_dma2 semaphore(%run_scoped3A_119 : memref<!tpu.dma_semaphore, #tpu.memory_space<semaphore_mem>>) src(%dma_wait3A_127 : memref<2x20000xi32, #tpu.memory_space<hbm>>) dst(%arg6 : memref<2x20000xi32, #tpu.memory_space<vmem>>)
      tpu.yield
    }) : () -> ()
    %barrier3A = arith.constant 0 : index
    tpu.barrier barrier_id(%barrier3A)
    %dma_start3A = arith.constant 0 : i32
    %dma_start3A_5 = arith.constant 0 : i32
    %dma_start3A_6 = arith.constant 0 : i32
    %dma_start3A_7 = arith.constant 0 : i32
    %dma_start3A_8 = arith.constant 0 : i32
    %dma_start3A_9 = tpu.memref_slice %arg7[%dma_start3A_5, %dma_start3A_7, %dma_start3A_8] : memref<3x192x64xf32, #tpu.memory_space<vmem>> -> memref<1x192x64xf32, #tpu.memory_space<vmem>>
    %dma_start3A_10 = tpu.memref_squeeze %dma_start3A_9 : memref<1x192x64xf32, #tpu.memory_space<vmem>> -> memref<192x64xf32, #tpu.memory_space<vmem>>
    %dma_start3A_11 = arith.constant 0 : i32
    %dma_start3A_12 = tpu.memref_slice %arg6[%dma_start3A, %dma_start3A_11] : memref<2x20000xi32, #tpu.memory_space<vmem>> -> memref<1x192xi32, #tpu.memory_space<vmem>>
    %dma_start3A_13 = tpu.memref_squeeze %dma_start3A_12 : memref<1x192xi32, #tpu.memory_space<vmem>> -> memref<192xi32, #tpu.memory_space<vmem>>
    %dma_start3A_14 = arith.constant 0 : i32
    %dma_start3A_15 = arith.constant 0 : i32
    %dma_start3A_16 = tpu.memref_slice %arg2[%dma_start3A_14, %dma_start3A_15] : memref<10240x64xf32, #tpu.memory_space<hbm>> -> memref<10240x64xf32, #tpu.memory_space<hbm>>
    %dma_start3A_17 = tpu.memref_slice %arg9[%dma_start3A_6] : memref<3x!tpu.dma_semaphore, #tpu.memory_space<semaphore_mem>> -> memref<1x!tpu.dma_semaphore, #tpu.memory_space<semaphore_mem>>
    %dma_start3A_18 = tpu.memref_squeeze %dma_start3A_17 : memref<1x!tpu.dma_semaphore, #tpu.memory_space<semaphore_mem>> -> memref<!tpu.dma_semaphore, #tpu.memory_space<semaphore_mem>>
    tpu.enqueue_indirect_dma source(%dma_start3A_16 : memref<10240x64xf32, #tpu.memory_space<hbm>>) target(%dma_start3A_10 : memref<192x64xf32, #tpu.memory_space<vmem>>) offsets(%dma_start3A_13 : memref<192xi32, #tpu.memory_space<vmem>>) semaphore(%dma_start3A_18 : memref<!tpu.dma_semaphore, #tpu.memory_space<semaphore_mem>>)
    %dma_start3A_19 = arith.constant 0 : i32
    %dma_start3A_20 = arith.constant 1 : i32
    %dma_start3A_21 = arith.constant 1 : i32
    %dma_start3A_22 = arith.constant 0 : i32
    %dma_start3A_23 = arith.constant 0 : i32
    %dma_start3A_24 = tpu.memref_slice %arg7[%dma_start3A_20, %dma_start3A_22, %dma_start3A_23] : memref<3x192x64xf32, #tpu.memory_space<vmem>> -> memref<1x192x64xf32, #tpu.memory_space<vmem>>
    %dma_start3A_25 = tpu.memref_squeeze %dma_start3A_24 : memref<1x192x64xf32, #tpu.memory_space<vmem>> -> memref<192x64xf32, #tpu.memory_space<vmem>>
    %dma_start3A_26 = arith.constant 192 : i32
    %dma_start3A_27 = tpu.memref_slice %arg6[%dma_start3A_19, %dma_start3A_26] : memref<2x20000xi32, #tpu.memory_space<vmem>> -> memref<1x192xi32, #tpu.memory_space<vmem>>
    %dma_start3A_28 = tpu.memref_squeeze %dma_start3A_27 : memref<1x192xi32, #tpu.memory_space<vmem>> -> memref<192xi32, #tpu.memory_space<vmem>>
    %dma_start3A_29 = arith.constant 0 : i32
    %dma_start3A_30 = arith.constant 0 : i32
    %dma_start3A_31 = tpu.memref_slice %arg2[%dma_start3A_29, %dma_start3A_30] : memref<10240x64xf32, #tpu.memory_space<hbm>> -> memref<10240x64xf32, #tpu.memory_space<hbm>>
    %dma_start3A_32 = tpu.memref_slice %arg9[%dma_start3A_21] : memref<3x!tpu.dma_semaphore, #tpu.memory_space<semaphore_mem>> -> memref<1x!tpu.dma_semaphore, #tpu.memory_space<semaphore_mem>>
    %dma_start3A_33 = tpu.memref_squeeze %dma_start3A_32 : memref<1x!tpu.dma_semaphore, #tpu.memory_space<semaphore_mem>> -> memref<!tpu.dma_semaphore, #tpu.memory_space<semaphore_mem>>
    tpu.enqueue_indirect_dma source(%dma_start3A_31 : memref<10240x64xf32, #tpu.memory_space<hbm>>) target(%dma_start3A_25 : memref<192x64xf32, #tpu.memory_space<vmem>>) offsets(%dma_start3A_28 : memref<192xi32, #tpu.memory_space<vmem>>) semaphore(%dma_start3A_33 : memref<!tpu.dma_semaphore, #tpu.memory_space<semaphore_mem>>)
    %scan3A = arith.constant 0 : i32
    %scan3A_34 = arith.constant 0 : i32
    %scan3A_35 = arith.constant 104 : i32
    %scan3A_36 = arith.addi %scan3A_34, %scan3A_35 : i32
    %scan3A_37 = arith.constant 1 : i32
    scf.for %scan3A_119 = %scan3A_34 to %scan3A_36 step %scan3A_37  : i32 {
      %add3A_120 = arith.constant 2 : i32
      %add3A_121 = arith.addi %scan3A_119, %add3A_120 : i32
      %lt3A = arith.constant 104 : i32
      %lt3A_122 = arith.cmpi slt, %add3A_121, %lt3A : i32
      %convert_element_type3A = arith.extui %lt3A_122 : i1 to i32
      %cond3A = arith.constant 0 : i32
      %cond3A_123 = arith.cmpi ne, %convert_element_type3A, %cond3A : i32
      scf.if %cond3A_123 {
        %rem3A_153 = arith.constant 3 : i32
        %rem3A_154 = arith.remsi %add3A_121, %rem3A_153 : i32
        %ge3A = arith.constant 3 : i32
        %ge3A_155 = arith.cmpi sge, %add3A_121, %ge3A : i32
        %convert_element_type3A_156 = arith.extui %ge3A_155 : i1 to i32
        %cond3A_157 = arith.constant 0 : i32
        %cond3A_158 = arith.cmpi ne, %convert_element_type3A_156, %cond3A_157 : i32
        scf.if %cond3A_158 {
          %sub3A = arith.constant 3 : i32
          %sub3A_173 = arith.subi %add3A_121, %sub3A : i32
          %mul3A_174 = arith.constant 192 : i32
          %mul3A_175 = arith.muli %sub3A_173, %mul3A_174 : i32
          %dma_wait3A_176 = arith.constant 1 : i32
          %dma_wait3A_177 = arith.constant 0 : i32
          %dma_wait3A_178 = arith.constant 0 : i32
          %dma_wait3A_179 = tpu.memref_slice %arg7[%rem3A_154, %dma_wait3A_177, %dma_wait3A_178] : memref<3x192x64xf32, #tpu.memory_space<vmem>> -> memref<1x192x64xf32, #tpu.memory_space<vmem>>
          %dma_wait3A_180 = tpu.memref_squeeze %dma_wait3A_179 : memref<1x192x64xf32, #tpu.memory_space<vmem>> -> memref<192x64xf32, #tpu.memory_space<vmem>>
          %dma_wait3A_181 = tpu.memref_slice %arg6[%dma_wait3A_176, %mul3A_175] : memref<2x20000xi32, #tpu.memory_space<vmem>> -> memref<1x192xi32, #tpu.memory_space<vmem>>
          %dma_wait3A_182 = tpu.memref_squeeze %dma_wait3A_181 : memref<1x192xi32, #tpu.memory_space<vmem>> -> memref<192xi32, #tpu.memory_space<vmem>>
          %dma_wait3A_183 = arith.constant 0 : i32
          %dma_wait3A_184 = arith.constant 0 : i32
          %dma_wait3A_185 = tpu.memref_slice %arg8[%dma_wait3A_183, %dma_wait3A_184] : memref<10240x64xf32, #tpu.memory_space<vmem_shared>> -> memref<10240x64xf32, #tpu.memory_space<vmem_shared>>
          %dma_wait3A_186 = tpu.memref_slice %arg10[%rem3A_154] : memref<3x!tpu.dma_semaphore, #tpu.memory_space<semaphore_mem>> -> memref<1x!tpu.dma_semaphore, #tpu.memory_space<semaphore_mem>>
          %dma_wait3A_187 = tpu.memref_squeeze %dma_wait3A_186 : memref<1x!tpu.dma_semaphore, #tpu.memory_space<semaphore_mem>> -> memref<!tpu.dma_semaphore, #tpu.memory_space<semaphore_mem>>
          tpu.wait_indirect_dma semaphore(%dma_wait3A_187 : memref<!tpu.dma_semaphore, #tpu.memory_space<semaphore_mem>>) src(%dma_wait3A_180 : memref<192x64xf32, #tpu.memory_space<vmem>>) dst(%dma_wait3A_185 : memref<10240x64xf32, #tpu.memory_space<vmem_shared>>)
        } else {
        }
        %mul3A_159 = arith.constant 192 : i32
        %mul3A_160 = arith.muli %add3A_121, %mul3A_159 : i32
        %dma_start3A_161 = arith.constant 0 : i32
        %dma_start3A_162 = arith.constant 0 : i32
        %dma_start3A_163 = arith.constant 0 : i32
        %dma_start3A_164 = tpu.memref_slice %arg7[%rem3A_154, %dma_start3A_162, %dma_start3A_163] : memref<3x192x64xf32, #tpu.memory_space<vmem>> -> memref<1x192x64xf32, #tpu.memory_space<vmem>>
        %dma_start3A_165 = tpu.memref_squeeze %dma_start3A_164 : memref<1x192x64xf32, #tpu.memory_space<vmem>> -> memref<192x64xf32, #tpu.memory_space<vmem>>
        %dma_start3A_166 = tpu.memref_slice %arg6[%dma_start3A_161, %mul3A_160] : memref<2x20000xi32, #tpu.memory_space<vmem>> -> memref<1x192xi32, #tpu.memory_space<vmem>>
        %dma_start3A_167 = tpu.memref_squeeze %dma_start3A_166 : memref<1x192xi32, #tpu.memory_space<vmem>> -> memref<192xi32, #tpu.memory_space<vmem>>
        %dma_start3A_168 = arith.constant 0 : i32
        %dma_start3A_169 = arith.constant 0 : i32
        %dma_start3A_170 = tpu.memref_slice %arg2[%dma_start3A_168, %dma_start3A_169] : memref<10240x64xf32, #tpu.memory_space<hbm>> -> memref<10240x64xf32, #tpu.memory_space<hbm>>
        %dma_start3A_171 = tpu.memref_slice %arg9[%rem3A_154] : memref<3x!tpu.dma_semaphore, #tpu.memory_space<semaphore_mem>> -> memref<1x!tpu.dma_semaphore, #tpu.memory_space<semaphore_mem>>
        %dma_start3A_172 = tpu.memref_squeeze %dma_start3A_171 : memref<1x!tpu.dma_semaphore, #tpu.memory_space<semaphore_mem>> -> memref<!tpu.dma_semaphore, #tpu.memory_space<semaphore_mem>>
        tpu.enqueue_indirect_dma source(%dma_start3A_170 : memref<10240x64xf32, #tpu.memory_space<hbm>>) target(%dma_start3A_165 : memref<192x64xf32, #tpu.memory_space<vmem>>) offsets(%dma_start3A_167 : memref<192xi32, #tpu.memory_space<vmem>>) semaphore(%dma_start3A_172 : memref<!tpu.dma_semaphore, #tpu.memory_space<semaphore_mem>>)
      } else {
      }
      %rem3A = arith.constant 3 : i32
      %rem3A_124 = arith.remsi %scan3A_119, %rem3A : i32
      %mul3A_125 = arith.constant 192 : i32
      %mul3A_126 = arith.muli %scan3A_119, %mul3A_125 : i32
      %dma_wait3A_127 = arith.constant 0 : i32
      %dma_wait3A_128 = arith.constant 0 : i32
      %dma_wait3A_129 = arith.constant 0 : i32
      %dma_wait3A_130 = tpu.memref_slice %arg7[%rem3A_124, %dma_wait3A_128, %dma_wait3A_129] : memref<3x192x64xf32, #tpu.memory_space<vmem>> -> memref<1x192x64xf32, #tpu.memory_space<vmem>>
      %dma_wait3A_131 = tpu.memref_squeeze %dma_wait3A_130 : memref<1x192x64xf32, #tpu.memory_space<vmem>> -> memref<192x64xf32, #tpu.memory_space<vmem>>
      %dma_wait3A_132 = tpu.memref_slice %arg6[%dma_wait3A_127, %mul3A_126] : memref<2x20000xi32, #tpu.memory_space<vmem>> -> memref<1x192xi32, #tpu.memory_space<vmem>>
      %dma_wait3A_133 = tpu.memref_squeeze %dma_wait3A_132 : memref<1x192xi32, #tpu.memory_space<vmem>> -> memref<192xi32, #tpu.memory_space<vmem>>
      %dma_wait3A_134 = arith.constant 0 : i32
      %dma_wait3A_135 = arith.constant 0 : i32
      %dma_wait3A_136 = tpu.memref_slice %arg2[%dma_wait3A_134, %dma_wait3A_135] : memref<10240x64xf32, #tpu.memory_space<hbm>> -> memref<10240x64xf32, #tpu.memory_space<hbm>>
      %dma_wait3A_137 = tpu.memref_slice %arg9[%rem3A_124] : memref<3x!tpu.dma_semaphore, #tpu.memory_space<semaphore_mem>> -> memref<1x!tpu.dma_semaphore, #tpu.memory_space<semaphore_mem>>
      %dma_wait3A_138 = tpu.memref_squeeze %dma_wait3A_137 : memref<1x!tpu.dma_semaphore, #tpu.memory_space<semaphore_mem>> -> memref<!tpu.dma_semaphore, #tpu.memory_space<semaphore_mem>>
      tpu.wait_indirect_dma semaphore(%dma_wait3A_138 : memref<!tpu.dma_semaphore, #tpu.memory_space<semaphore_mem>>) src(%dma_wait3A_136 : memref<10240x64xf32, #tpu.memory_space<hbm>>) dst(%dma_wait3A_131 : memref<192x64xf32, #tpu.memory_space<vmem>>)
      %mul3A_139 = arith.constant 192 : i32
      %mul3A_140 = arith.muli %scan3A_119, %mul3A_139 : i32
      %dma_start3A_141 = arith.constant 1 : i32
      %dma_start3A_142 = arith.constant 0 : i32
      %dma_start3A_143 = arith.constant 0 : i32
      %dma_start3A_144 = tpu.memref_slice %arg7[%rem3A_124, %dma_start3A_142, %dma_start3A_143] : memref<3x192x64xf32, #tpu.memory_space<vmem>> -> memref<1x192x64xf32, #tpu.memory_space<vmem>>
      %dma_start3A_145 = tpu.memref_squeeze %dma_start3A_144 : memref<1x192x64xf32, #tpu.memory_space<vmem>> -> memref<192x64xf32, #tpu.memory_space<vmem>>
      %dma_start3A_146 = tpu.memref_slice %arg6[%dma_start3A_141, %mul3A_140] : memref<2x20000xi32, #tpu.memory_space<vmem>> -> memref<1x192xi32, #tpu.memory_space<vmem>>
      %dma_start3A_147 = tpu.memref_squeeze %dma_start3A_146 : memref<1x192xi32, #tpu.memory_space<vmem>> -> memref<192xi32, #tpu.memory_space<vmem>>
      %dma_start3A_148 = arith.constant 0 : i32
      %dma_start3A_149 = arith.constant 0 : i32
      %dma_start3A_150 = tpu.memref_slice %arg8[%dma_start3A_148, %dma_start3A_149] : memref<10240x64xf32, #tpu.memory_space<vmem_shared>> -> memref<10240x64xf32, #tpu.memory_space<vmem_shared>>
      %dma_start3A_151 = tpu.memref_slice %arg10[%rem3A_124] : memref<3x!tpu.dma_semaphore, #tpu.memory_space<semaphore_mem>> -> memref<1x!tpu.dma_semaphore, #tpu.memory_space<semaphore_mem>>
      %dma_start3A_152 = tpu.memref_squeeze %dma_start3A_151 : memref<1x!tpu.dma_semaphore, #tpu.memory_space<semaphore_mem>> -> memref<!tpu.dma_semaphore, #tpu.memory_space<semaphore_mem>>
      tpu.enqueue_indirect_dma source(%dma_start3A_145 : memref<192x64xf32, #tpu.memory_space<vmem>>) target(%dma_start3A_150 : memref<10240x64xf32, #tpu.memory_space<vmem_shared>>) offsets(%dma_start3A_147 : memref<192xi32, #tpu.memory_space<vmem>>) semaphore(%dma_start3A_152 : memref<!tpu.dma_semaphore, #tpu.memory_space<semaphore_mem>>) {add = true}
    }
    %scan3A_38 = arith.constant 104 : i32
    %dma_wait3A = arith.constant 2 : i32
    %dma_wait3A_39 = arith.constant 1 : i32
    %dma_wait3A_40 = arith.constant 2 : i32
    %dma_wait3A_41 = arith.constant 0 : i32
    %dma_wait3A_42 = arith.constant 0 : i32
    %dma_wait3A_43 = tpu.memref_slice %arg7[%dma_wait3A, %dma_wait3A_41, %dma_wait3A_42] : memref<3x192x64xf32, #tpu.memory_space<vmem>> -> memref<1x192x64xf32, #tpu.memory_space<vmem>>
    %dma_wait3A_44 = tpu.memref_squeeze %dma_wait3A_43 : memref<1x192x64xf32, #tpu.memory_space<vmem>> -> memref<192x64xf32, #tpu.memory_space<vmem>>
    %dma_wait3A_45 = arith.constant 19392 : i32
    %dma_wait3A_46 = tpu.memref_slice %arg6[%dma_wait3A_39, %dma_wait3A_45] : memref<2x20000xi32, #tpu.memory_space<vmem>> -> memref<1x192xi32, #tpu.memory_space<vmem>>
    %dma_wait3A_47 = tpu.memref_squeeze %dma_wait3A_46 : memref<1x192xi32, #tpu.memory_space<vmem>> -> memref<192xi32, #tpu.memory_space<vmem>>
    %dma_wait3A_48 = arith.constant 0 : i32
    %dma_wait3A_49 = arith.constant 0 : i32
    %dma_wait3A_50 = tpu.memref_slice %arg8[%dma_wait3A_48, %dma_wait3A_49] : memref<10240x64xf32, #tpu.memory_space<vmem_shared>> -> memref<10240x64xf32, #tpu.memory_space<vmem_shared>>
    %dma_wait3A_51 = tpu.memref_slice %arg10[%dma_wait3A_40] : memref<3x!tpu.dma_semaphore, #tpu.memory_space<semaphore_mem>> -> memref<1x!tpu.dma_semaphore, #tpu.memory_space<semaphore_mem>>
    %dma_wait3A_52 = tpu.memref_squeeze %dma_wait3A_51 : memref<1x!tpu.dma_semaphore, #tpu.memory_space<semaphore_mem>> -> memref<!tpu.dma_semaphore, #tpu.memory_space<semaphore_mem>>
    tpu.wait_indirect_dma semaphore(%dma_wait3A_52 : memref<!tpu.dma_semaphore, #tpu.memory_space<semaphore_mem>>) src(%dma_wait3A_44 : memref<192x64xf32, #tpu.memory_space<vmem>>) dst(%dma_wait3A_50 : memref<10240x64xf32, #tpu.memory_space<vmem_shared>>)
    %dma_wait3A_53 = arith.constant 0 : i32
    %dma_wait3A_54 = arith.constant 1 : i32
    %dma_wait3A_55 = arith.constant 0 : i32
    %dma_wait3A_56 = arith.constant 0 : i32
    %dma_wait3A_57 = arith.constant 0 : i32
    %dma_wait3A_58 = tpu.memref_slice %arg7[%dma_wait3A_53, %dma_wait3A_56, %dma_wait3A_57] : memref<3x192x64xf32, #tpu.memory_space<vmem>> -> memref<1x192x64xf32, #tpu.memory_space<vmem>>
    %dma_wait3A_59 = tpu.memref_squeeze %dma_wait3A_58 : memref<1x192x64xf32, #tpu.memory_space<vmem>> -> memref<192x64xf32, #tpu.memory_space<vmem>>
    %dma_wait3A_60 = arith.constant 19584 : i32
    %dma_wait3A_61 = tpu.memref_slice %arg6[%dma_wait3A_54, %dma_wait3A_60] : memref<2x20000xi32, #tpu.memory_space<vmem>> -> memref<1x192xi32, #tpu.memory_space<vmem>>
    %dma_wait3A_62 = tpu.memref_squeeze %dma_wait3A_61 : memref<1x192xi32, #tpu.memory_space<vmem>> -> memref<192xi32, #tpu.memory_space<vmem>>
    %dma_wait3A_63 = arith.constant 0 : i32
    %dma_wait3A_64 = arith.constant 0 : i32
    %dma_wait3A_65 = tpu.memref_slice %arg8[%dma_wait3A_63, %dma_wait3A_64] : memref<10240x64xf32, #tpu.memory_space<vmem_shared>> -> memref<10240x64xf32, #tpu.memory_space<vmem_shared>>
    %dma_wait3A_66 = tpu.memref_slice %arg10[%dma_wait3A_55] : memref<3x!tpu.dma_semaphore, #tpu.memory_space<semaphore_mem>> -> memref<1x!tpu.dma_semaphore, #tpu.memory_space<semaphore_mem>>
    %dma_wait3A_67 = tpu.memref_squeeze %dma_wait3A_66 : memref<1x!tpu.dma_semaphore, #tpu.memory_space<semaphore_mem>> -> memref<!tpu.dma_semaphore, #tpu.memory_space<semaphore_mem>>
    tpu.wait_indirect_dma semaphore(%dma_wait3A_67 : memref<!tpu.dma_semaphore, #tpu.memory_space<semaphore_mem>>) src(%dma_wait3A_59 : memref<192x64xf32, #tpu.memory_space<vmem>>) dst(%dma_wait3A_65 : memref<10240x64xf32, #tpu.memory_space<vmem_shared>>)
    %dma_wait3A_68 = arith.constant 1 : i32
    %dma_wait3A_69 = arith.constant 1 : i32
    %dma_wait3A_70 = arith.constant 1 : i32
    %dma_wait3A_71 = arith.constant 0 : i32
    %dma_wait3A_72 = arith.constant 0 : i32
    %dma_wait3A_73 = tpu.memref_slice %arg7[%dma_wait3A_68, %dma_wait3A_71, %dma_wait3A_72] : memref<3x192x64xf32, #tpu.memory_space<vmem>> -> memref<1x192x64xf32, #tpu.memory_space<vmem>>
    %dma_wait3A_74 = tpu.memref_squeeze %dma_wait3A_73 : memref<1x192x64xf32, #tpu.memory_space<vmem>> -> memref<192x64xf32, #tpu.memory_space<vmem>>
    %dma_wait3A_75 = arith.constant 19776 : i32
    %dma_wait3A_76 = tpu.memref_slice %arg6[%dma_wait3A_69, %dma_wait3A_75] : memref<2x20000xi32, #tpu.memory_space<vmem>> -> memref<1x192xi32, #tpu.memory_space<vmem>>
    %dma_wait3A_77 = tpu.memref_squeeze %dma_wait3A_76 : memref<1x192xi32, #tpu.memory_space<vmem>> -> memref<192xi32, #tpu.memory_space<vmem>>
    %dma_wait3A_78 = arith.constant 0 : i32
    %dma_wait3A_79 = arith.constant 0 : i32
    %dma_wait3A_80 = tpu.memref_slice %arg8[%dma_wait3A_78, %dma_wait3A_79] : memref<10240x64xf32, #tpu.memory_space<vmem_shared>> -> memref<10240x64xf32, #tpu.memory_space<vmem_shared>>
    %dma_wait3A_81 = tpu.memref_slice %arg10[%dma_wait3A_70] : memref<3x!tpu.dma_semaphore, #tpu.memory_space<semaphore_mem>> -> memref<1x!tpu.dma_semaphore, #tpu.memory_space<semaphore_mem>>
    %dma_wait3A_82 = tpu.memref_squeeze %dma_wait3A_81 : memref<1x!tpu.dma_semaphore, #tpu.memory_space<semaphore_mem>> -> memref<!tpu.dma_semaphore, #tpu.memory_space<semaphore_mem>>
    tpu.wait_indirect_dma semaphore(%dma_wait3A_82 : memref<!tpu.dma_semaphore, #tpu.memory_space<semaphore_mem>>) src(%dma_wait3A_74 : memref<192x64xf32, #tpu.memory_space<vmem>>) dst(%dma_wait3A_80 : memref<10240x64xf32, #tpu.memory_space<vmem_shared>>)
    %dma_start3A_83 = arith.constant 0 : i32
    %dma_start3A_84 = arith.constant 0 : i32
    %dma_start3A_85 = arith.constant 0 : i32
    %dma_start3A_86 = arith.constant 0 : i32
    %dma_start3A_87 = arith.constant 0 : i32
    %dma_start3A_88 = tpu.memref_slice %arg7[%dma_start3A_84, %dma_start3A_86, %dma_start3A_87] : memref<3x192x64xf32, #tpu.memory_space<vmem>> -> memref<1x32x64xf32, #tpu.memory_space<vmem>>
    %dma_start3A_89 = tpu.memref_squeeze %dma_start3A_88 : memref<1x32x64xf32, #tpu.memory_space<vmem>> -> memref<32x64xf32, #tpu.memory_space<vmem>>
    %dma_start3A_90 = arith.constant 19968 : i32
    %dma_start3A_91 = tpu.memref_slice %arg6[%dma_start3A_83, %dma_start3A_90] : memref<2x20000xi32, #tpu.memory_space<vmem>> -> memref<1x32xi32, #tpu.memory_space<vmem>>
    %dma_start3A_92 = tpu.memref_squeeze %dma_start3A_91 : memref<1x32xi32, #tpu.memory_space<vmem>> -> memref<32xi32, #tpu.memory_space<vmem>>
    %dma_start3A_93 = arith.constant 0 : i32
    %dma_start3A_94 = arith.constant 0 : i32
    %dma_start3A_95 = tpu.memref_slice %arg2[%dma_start3A_93, %dma_start3A_94] : memref<10240x64xf32, #tpu.memory_space<hbm>> -> memref<10240x64xf32, #tpu.memory_space<hbm>>
    %dma_start3A_96 = tpu.memref_slice %arg9[%dma_start3A_85] : memref<3x!tpu.dma_semaphore, #tpu.memory_space<semaphore_mem>> -> memref<1x!tpu.dma_semaphore, #tpu.memory_space<semaphore_mem>>
    %dma_start3A_97 = tpu.memref_squeeze %dma_start3A_96 : memref<1x!tpu.dma_semaphore, #tpu.memory_space<semaphore_mem>> -> memref<!tpu.dma_semaphore, #tpu.memory_space<semaphore_mem>>
    tpu.enqueue_indirect_dma source(%dma_start3A_95 : memref<10240x64xf32, #tpu.memory_space<hbm>>) target(%dma_start3A_89 : memref<32x64xf32, #tpu.memory_space<vmem>>) offsets(%dma_start3A_92 : memref<32xi32, #tpu.memory_space<vmem>>) semaphore(%dma_start3A_97 : memref<!tpu.dma_semaphore, #tpu.memory_space<semaphore_mem>>)
    %dma_wait3A_98 = arith.constant 0 : i32
    %dma_wait3A_99 = arith.constant 0 : i32
    %dma_wait3A_100 = arith.constant 0 : i32
    %dma_wait3A_101 = arith.constant 0 : i32
    %dma_wait3A_102 = arith.constant 0 : i32
    %dma_wait3A_103 = tpu.memref_slice %arg7[%dma_wait3A_99, %dma_wait3A_101, %dma_wait3A_102] : memref<3x192x64xf32, #tpu.memory_space<vmem>> -> memref<1x32x64xf32, #tpu.memory_space<vmem>>
    %dma_wait3A_104 = tpu.memref_squeeze %dma_wait3A_103 : memref<1x32x64xf32, #tpu.memory_space<vmem>> -> memref<32x64xf32, #tpu.memory_space<vmem>>
    %dma_wait3A_105 = arith.constant 19968 : i32
    %dma_wait3A_106 = tpu.memref_slice %arg6[%dma_wait3A_98, %dma_wait3A_105] : memref<2x20000xi32, #tpu.memory_space<vmem>> -> memref<1x32xi32, #tpu.memory_space<vmem>>
    %dma_wait3A_107 = tpu.memref_squeeze %dma_wait3A_106 : memref<1x32xi32, #tpu.memory_space<vmem>> -> memref<32xi32, #tpu.memory_space<vmem>>
    %dma_wait3A_108 = arith.constant 0 : i32
    %dma_wait3A_109 = arith.constant 0 : i32
    %dma_wait3A_110 = tpu.memref_slice %arg2[%dma_wait3A_108, %dma_wait3A_109] : memref<10240x64xf32, #tpu.memory_space<hbm>> -> memref<10240x64xf32, #tpu.memory_space<hbm>>
    %dma_wait3A_111 = tpu.memref_slice %arg9[%dma_wait3A_100] : memref<3x!tpu.dma_semaphore, #tpu.memory_space<semaphore_mem>> -> memref<1x!tpu.dma_semaphore, #tpu.memory_space<semaphore_mem>>
    %dma_wait3A_112 = tpu.memref_squeeze %dma_wait3A_111 : memref<1x!tpu.dma_semaphore, #tpu.memory_space<semaphore_mem>> -> memref<!tpu.dma_semaphore, #tpu.memory_space<semaphore_mem>>
    tpu.wait_indirect_dma semaphore(%dma_wait3A_112 : memref<!tpu.dma_semaphore, #tpu.memory_space<semaphore_mem>>) src(%dma_wait3A_110 : memref<10240x64xf32, #tpu.memory_space<hbm>>) dst(%dma_wait3A_104 : memref<32x64xf32, #tpu.memory_space<vmem>>)
    %run_scoped3A = arith.constant 0 : i32
    %run_scoped3A_113 = arith.constant 1 : i32
    "tpu.region"() ({
      %run_scoped3A_119 = tpu.sem_alloc : memref<!tpu.dma_semaphore, #tpu.memory_space<semaphore_mem>>
      %dma_start3A_120 = arith.constant 0 : i32
      %dma_start3A_121 = arith.constant 0 : i32
      %dma_start3A_122 = tpu.memref_slice %arg7[%run_scoped3A, %dma_start3A_120, %dma_start3A_121] : memref<3x192x64xf32, #tpu.memory_space<vmem>> -> memref<1x32x64xf32, #tpu.memory_space<vmem>>
      %dma_start3A_123 = tpu.memref_squeeze %dma_start3A_122 : memref<1x32x64xf32, #tpu.memory_space<vmem>> -> memref<32x64xf32, #tpu.memory_space<vmem>>
      %dma_start3A_124 = arith.constant 19968 : i32
      %dma_start3A_125 = tpu.memref_slice %arg6[%run_scoped3A_113, %dma_start3A_124] : memref<2x20000xi32, #tpu.memory_space<vmem>> -> memref<1x32xi32, #tpu.memory_space<vmem>>
      %dma_start3A_126 = tpu.memref_squeeze %dma_start3A_125 : memref<1x32xi32, #tpu.memory_space<vmem>> -> memref<32xi32, #tpu.memory_space<vmem>>
      %dma_start3A_127 = arith.constant 0 : i32
      %dma_start3A_128 = arith.constant 0 : i32
      %dma_start3A_129 = tpu.memref_slice %arg8[%dma_start3A_127, %dma_start3A_128] : memref<10240x64xf32, #tpu.memory_space<vmem_shared>> -> memref<10240x64xf32, #tpu.memory_space<vmem_shared>>
      tpu.enqueue_indirect_dma source(%dma_start3A_123 : memref<32x64xf32, #tpu.memory_space<vmem>>) target(%dma_start3A_129 : memref<10240x64xf32, #tpu.memory_space<vmem_shared>>) offsets(%dma_start3A_126 : memref<32xi32, #tpu.memory_space<vmem>>) semaphore(%run_scoped3A_119 : memref<!tpu.dma_semaphore, #tpu.memory_space<semaphore_mem>>) {add = true}
      %dma_wait3A_130 = arith.constant 0 : i32
      %dma_wait3A_131 = arith.constant 0 : i32
      %dma_wait3A_132 = tpu.memref_slice %arg7[%run_scoped3A, %dma_wait3A_130, %dma_wait3A_131] : memref<3x192x64xf32, #tpu.memory_space<vmem>> -> memref<1x32x64xf32, #tpu.memory_space<vmem>>
      %dma_wait3A_133 = tpu.memref_squeeze %dma_wait3A_132 : memref<1x32x64xf32, #tpu.memory_space<vmem>> -> memref<32x64xf32, #tpu.memory_space<vmem>>
      %dma_wait3A_134 = arith.constant 19968 : i32
      %dma_wait3A_135 = tpu.memref_slice %arg6[%run_scoped3A_113, %dma_wait3A_134] : memref<2x20000xi32, #tpu.memory_space<vmem>> -> memref<1x32xi32, #tpu.memory_space<vmem>>
      %dma_wait3A_136 = tpu.memref_squeeze %dma_wait3A_135 : memref<1x32xi32, #tpu.memory_space<vmem>> -> memref<32xi32, #tpu.memory_space<vmem>>
      %dma_wait3A_137 = arith.constant 0 : i32
      %dma_wait3A_138 = arith.constant 0 : i32
      %dma_wait3A_139 = tpu.memref_slice %arg8[%dma_wait3A_137, %dma_wait3A_138] : memref<10240x64xf32, #tpu.memory_space<vmem_shared>> -> memref<10240x64xf32, #tpu.memory_space<vmem_shared>>
      tpu.wait_indirect_dma semaphore(%run_scoped3A_119 : memref<!tpu.dma_semaphore, #tpu.memory_space<semaphore_mem>>) src(%dma_wait3A_133 : memref<32x64xf32, #tpu.memory_space<vmem>>) dst(%dma_wait3A_139 : memref<10240x64xf32, #tpu.memory_space<vmem_shared>>)
      tpu.yield
    }) : () -> ()
    %barrier3A_114 = arith.constant 0 : index
    tpu.barrier barrier_id(%barrier3A_114)
    %mul3A_115 = arith.constant 640 : i32
    %mul3A_116 = arith.muli %arg1, %mul3A_115 : i32
    %mul3A_117 = arith.constant 640 : i32
    %mul3A_118 = arith.muli %arg1, %mul3A_117 : i32
    "tpu.region"() ({
      %run_scoped3A_119 = tpu.sem_alloc : memref<!tpu.dma_semaphore, #tpu.memory_space<semaphore_mem>>
      %dma_start3A_120 = arith.constant 0 : i32
      %dma_start3A_121 = tpu.memref_slice %arg5[%arg0, %mul3A_118, %dma_start3A_120] : memref<2x10240x128xf32, #tpu.memory_space<hbm>> -> memref<1x640x64xf32, #tpu.memory_space<hbm>>
      %dma_start3A_122 = tpu.memref_squeeze %dma_start3A_121 : memref<1x640x64xf32, #tpu.memory_space<hbm>> -> memref<640x64xf32, #tpu.memory_space<hbm>>
      %dma_start3A_123 = arith.constant 0 : i32
      %dma_start3A_124 = tpu.memref_slice %arg8[%mul3A_116, %dma_start3A_123] : memref<10240x64xf32, #tpu.memory_space<vmem_shared>> -> memref<640x64xf32, #tpu.memory_space<vmem_shared>>
      tpu.enqueue_dma source(%dma_start3A_124 : memref<640x64xf32, #tpu.memory_space<vmem_shared>>) target(%dma_start3A_122 : memref<640x64xf32, #tpu.memory_space<hbm>>) target_semaphore(%run_scoped3A_119 : memref<!tpu.dma_semaphore, #tpu.memory_space<semaphore_mem>>)
      %dma_wait3A_125 = arith.constant 0 : i32
      %dma_wait3A_126 = tpu.memref_slice %arg5[%arg0, %mul3A_118, %dma_wait3A_125] : memref<2x10240x128xf32, #tpu.memory_space<hbm>> -> memref<1x640x64xf32, #tpu.memory_space<hbm>>
      %dma_wait3A_127 = tpu.memref_squeeze %dma_wait3A_126 : memref<1x640x64xf32, #tpu.memory_space<hbm>> -> memref<640x64xf32, #tpu.memory_space<hbm>>
      %dma_wait3A_128 = arith.constant 0 : i32
      %dma_wait3A_129 = tpu.memref_slice %arg8[%mul3A_116, %dma_wait3A_128] : memref<10240x64xf32, #tpu.memory_space<vmem_shared>> -> memref<640x64xf32, #tpu.memory_space<vmem_shared>>
      tpu.wait_dma2 semaphore(%run_scoped3A_119 : memref<!tpu.dma_semaphore, #tpu.memory_space<semaphore_mem>>) src(%dma_wait3A_129 : memref<640x64xf32, #tpu.memory_space<vmem_shared>>) dst(%dma_wait3A_127 : memref<640x64xf32, #tpu.memory_space<hbm>>)
      tpu.yield
    }) : () -> ()
    return
  }
}

#map = affine_map<(d0, d1) -> (0, 0)>
#map1 = affine_map<(d0, d1) -> (0, 0, 0)>
module attributes {stable_mosaic.version = 14 : i64} {
  func.func @seg_sum(%arg0: i32, %arg1: i32, %arg2: memref<10240x16xf32, #tpu.memory_space<hbm>>, %arg3: memref<2x640000xi32, #tpu.memory_space<hbm>>, %arg4: memref<640x16xf32, #tpu.memory_space<hbm>>, %arg5: memref<2x10240x128xf32, #tpu.memory_space<hbm>>, %arg6: memref<2x20000xi32, #tpu.memory_space<vmem>>, %arg7: memref<8x512x16xf32, #tpu.memory_space<vmem>>, %arg8: memref<10240x16xf32, #tpu.memory_space<vmem_shared>>, %arg9: memref<8x!tpu.dma_semaphore, #tpu.memory_space<semaphore_mem>>, %arg10: memref<8x!tpu.dma_semaphore, #tpu.memory_space<semaphore_mem>>) attributes {dimension_semantics = [#tpu.dimension_semantics<core_parallel>, #tpu.dimension_semantics<subcore_parallel>], iteration_bounds = array<i64: 2, 16>, scalar_prefetch = 0 : i64, scratch_operands = 5 : i64, tpu.core_type = #tpu.core_type<sc_vector_subcore>, window_params = [{transform_indices = #map}, {transform_indices = #map}, {transform_indices = #map}, {transform_indices = #map1}]} {
    %mul3A = arith.constant 2 : i32
    %mul3A_0 = arith.muli %arg1, %mul3A : i32
    %add3A = arith.addi %mul3A_0, %arg0 : i32
    %mul3A_1 = arith.constant 20000 : i32
    %mul3A_2 = arith.muli %add3A, %mul3A_1 : i32
    %mul3A_3 = arith.constant 640 : i32
    %mul3A_4 = arith.muli %arg1, %mul3A_3 : i32
    "tpu.region"() ({
      %run_scoped3A_224 = tpu.sem_alloc : memref<!tpu.dma_semaphore, #tpu.memory_space<semaphore_mem>>
      %dma_start3A_225 = arith.constant 0 : i32
      %dma_start3A_226 = tpu.memref_slice %arg8[%mul3A_4, %dma_start3A_225] : memref<10240x16xf32, #tpu.memory_space<vmem_shared>> -> memref<640x16xf32, #tpu.memory_space<vmem_shared>>
      tpu.enqueue_dma source(%arg4 : memref<640x16xf32, #tpu.memory_space<hbm>>) target(%dma_start3A_226 : memref<640x16xf32, #tpu.memory_space<vmem_shared>>) target_semaphore(%run_scoped3A_224 : memref<!tpu.dma_semaphore, #tpu.memory_space<semaphore_mem>>)
      %dma_wait3A_227 = arith.constant 0 : i32
      %dma_wait3A_228 = tpu.memref_slice %arg8[%mul3A_4, %dma_wait3A_227] : memref<10240x16xf32, #tpu.memory_space<vmem_shared>> -> memref<640x16xf32, #tpu.memory_space<vmem_shared>>
      tpu.wait_dma2 semaphore(%run_scoped3A_224 : memref<!tpu.dma_semaphore, #tpu.memory_space<semaphore_mem>>) src(%arg4 : memref<640x16xf32, #tpu.memory_space<hbm>>) dst(%dma_wait3A_228 : memref<640x16xf32, #tpu.memory_space<vmem_shared>>)
      tpu.yield
    }) : () -> ()
    "tpu.region"() ({
      %run_scoped3A_224 = tpu.sem_alloc : memref<!tpu.dma_semaphore, #tpu.memory_space<semaphore_mem>>
      %dma_start3A_225 = arith.constant 0 : i32
      %dma_start3A_226 = tpu.memref_slice %arg3[%dma_start3A_225, %mul3A_2] : memref<2x640000xi32, #tpu.memory_space<hbm>> -> memref<2x20000xi32, #tpu.memory_space<hbm>>
      %dma_start3A_227 = arith.constant 0 : i32
      %dma_start3A_228 = tpu.memref_slice %arg3[%dma_start3A_227, %mul3A_2] : memref<2x640000xi32, #tpu.memory_space<hbm>> -> memref<2x20000xi32, #tpu.memory_space<hbm>>
      tpu.enqueue_dma source(%dma_start3A_228 : memref<2x20000xi32, #tpu.memory_space<hbm>>) target(%arg6 : memref<2x20000xi32, #tpu.memory_space<vmem>>) target_semaphore(%run_scoped3A_224 : memref<!tpu.dma_semaphore, #tpu.memory_space<semaphore_mem>>)
      %dma_wait3A_229 = arith.constant 0 : i32
      %dma_wait3A_230 = tpu.memref_slice %arg3[%dma_wait3A_229, %mul3A_2] : memref<2x640000xi32, #tpu.memory_space<hbm>> -> memref<2x20000xi32, #tpu.memory_space<hbm>>
      %dma_wait3A_231 = arith.constant 0 : i32
      %dma_wait3A_232 = tpu.memref_slice %arg3[%dma_wait3A_231, %mul3A_2] : memref<2x640000xi32, #tpu.memory_space<hbm>> -> memref<2x20000xi32, #tpu.memory_space<hbm>>
      tpu.wait_dma2 semaphore(%run_scoped3A_224 : memref<!tpu.dma_semaphore, #tpu.memory_space<semaphore_mem>>) src(%dma_wait3A_232 : memref<2x20000xi32, #tpu.memory_space<hbm>>) dst(%arg6 : memref<2x20000xi32, #tpu.memory_space<vmem>>)
      tpu.yield
    }) : () -> ()
    %barrier3A = arith.constant 0 : index
    tpu.barrier barrier_id(%barrier3A)
    %dma_start3A = arith.constant 0 : i32
    %dma_start3A_5 = arith.constant 0 : i32
    %dma_start3A_6 = arith.constant 0 : i32
    %dma_start3A_7 = arith.constant 0 : i32
    %dma_start3A_8 = arith.constant 0 : i32
    %dma_start3A_9 = tpu.memref_slice %arg7[%dma_start3A_5, %dma_start3A_7, %dma_start3A_8] : memref<8x512x16xf32, #tpu.memory_space<vmem>> -> memref<1x512x16xf32, #tpu.memory_space<vmem>>
    %dma_start3A_10 = tpu.memref_squeeze %dma_start3A_9 : memref<1x512x16xf32, #tpu.memory_space<vmem>> -> memref<512x16xf32, #tpu.memory_space<vmem>>
    %dma_start3A_11 = arith.constant 0 : i32
    %dma_start3A_12 = tpu.memref_slice %arg6[%dma_start3A, %dma_start3A_11] : memref<2x20000xi32, #tpu.memory_space<vmem>> -> memref<1x512xi32, #tpu.memory_space<vmem>>
    %dma_start3A_13 = tpu.memref_squeeze %dma_start3A_12 : memref<1x512xi32, #tpu.memory_space<vmem>> -> memref<512xi32, #tpu.memory_space<vmem>>
    %dma_start3A_14 = arith.constant 0 : i32
    %dma_start3A_15 = arith.constant 0 : i32
    %dma_start3A_16 = tpu.memref_slice %arg2[%dma_start3A_14, %dma_start3A_15] : memref<10240x16xf32, #tpu.memory_space<hbm>> -> memref<10240x16xf32, #tpu.memory_space<hbm>>
    %dma_start3A_17 = tpu.memref_slice %arg9[%dma_start3A_6] : memref<8x!tpu.dma_semaphore, #tpu.memory_space<semaphore_mem>> -> memref<1x!tpu.dma_semaphore, #tpu.memory_space<semaphore_mem>>
    %dma_start3A_18 = tpu.memref_squeeze %dma_start3A_17 : memref<1x!tpu.dma_semaphore, #tpu.memory_space<semaphore_mem>> -> memref<!tpu.dma_semaphore, #tpu.memory_space<semaphore_mem>>
    tpu.enqueue_indirect_dma source(%dma_start3A_16 : memref<10240x16xf32, #tpu.memory_space<hbm>>) target(%dma_start3A_10 : memref<512x16xf32, #tpu.memory_space<vmem>>) offsets(%dma_start3A_13 : memref<512xi32, #tpu.memory_space<vmem>>) semaphore(%dma_start3A_18 : memref<!tpu.dma_semaphore, #tpu.memory_space<semaphore_mem>>)
    %dma_start3A_19 = arith.constant 0 : i32
    %dma_start3A_20 = arith.constant 1 : i32
    %dma_start3A_21 = arith.constant 1 : i32
    %dma_start3A_22 = arith.constant 0 : i32
    %dma_start3A_23 = arith.constant 0 : i32
    %dma_start3A_24 = tpu.memref_slice %arg7[%dma_start3A_20, %dma_start3A_22, %dma_start3A_23] : memref<8x512x16xf32, #tpu.memory_space<vmem>> -> memref<1x512x16xf32, #tpu.memory_space<vmem>>
    %dma_start3A_25 = tpu.memref_squeeze %dma_start3A_24 : memref<1x512x16xf32, #tpu.memory_space<vmem>> -> memref<512x16xf32, #tpu.memory_space<vmem>>
    %dma_start3A_26 = arith.constant 512 : i32
    %dma_start3A_27 = tpu.memref_slice %arg6[%dma_start3A_19, %dma_start3A_26] : memref<2x20000xi32, #tpu.memory_space<vmem>> -> memref<1x512xi32, #tpu.memory_space<vmem>>
    %dma_start3A_28 = tpu.memref_squeeze %dma_start3A_27 : memref<1x512xi32, #tpu.memory_space<vmem>> -> memref<512xi32, #tpu.memory_space<vmem>>
    %dma_start3A_29 = arith.constant 0 : i32
    %dma_start3A_30 = arith.constant 0 : i32
    %dma_start3A_31 = tpu.memref_slice %arg2[%dma_start3A_29, %dma_start3A_30] : memref<10240x16xf32, #tpu.memory_space<hbm>> -> memref<10240x16xf32, #tpu.memory_space<hbm>>
    %dma_start3A_32 = tpu.memref_slice %arg9[%dma_start3A_21] : memref<8x!tpu.dma_semaphore, #tpu.memory_space<semaphore_mem>> -> memref<1x!tpu.dma_semaphore, #tpu.memory_space<semaphore_mem>>
    %dma_start3A_33 = tpu.memref_squeeze %dma_start3A_32 : memref<1x!tpu.dma_semaphore, #tpu.memory_space<semaphore_mem>> -> memref<!tpu.dma_semaphore, #tpu.memory_space<semaphore_mem>>
    tpu.enqueue_indirect_dma source(%dma_start3A_31 : memref<10240x16xf32, #tpu.memory_space<hbm>>) target(%dma_start3A_25 : memref<512x16xf32, #tpu.memory_space<vmem>>) offsets(%dma_start3A_28 : memref<512xi32, #tpu.memory_space<vmem>>) semaphore(%dma_start3A_33 : memref<!tpu.dma_semaphore, #tpu.memory_space<semaphore_mem>>)
    %dma_start3A_34 = arith.constant 0 : i32
    %dma_start3A_35 = arith.constant 2 : i32
    %dma_start3A_36 = arith.constant 2 : i32
    %dma_start3A_37 = arith.constant 0 : i32
    %dma_start3A_38 = arith.constant 0 : i32
    %dma_start3A_39 = tpu.memref_slice %arg7[%dma_start3A_35, %dma_start3A_37, %dma_start3A_38] : memref<8x512x16xf32, #tpu.memory_space<vmem>> -> memref<1x512x16xf32, #tpu.memory_space<vmem>>
    %dma_start3A_40 = tpu.memref_squeeze %dma_start3A_39 : memref<1x512x16xf32, #tpu.memory_space<vmem>> -> memref<512x16xf32, #tpu.memory_space<vmem>>
    %dma_start3A_41 = arith.constant 1024 : i32
    %dma_start3A_42 = tpu.memref_slice %arg6[%dma_start3A_34, %dma_start3A_41] : memref<2x20000xi32, #tpu.memory_space<vmem>> -> memref<1x512xi32, #tpu.memory_space<vmem>>
    %dma_start3A_43 = tpu.memref_squeeze %dma_start3A_42 : memref<1x512xi32, #tpu.memory_space<vmem>> -> memref<512xi32, #tpu.memory_space<vmem>>
    %dma_start3A_44 = arith.constant 0 : i32
    %dma_start3A_45 = arith.constant 0 : i32
    %dma_start3A_46 = tpu.memref_slice %arg2[%dma_start3A_44, %dma_start3A_45] : memref<10240x16xf32, #tpu.memory_space<hbm>> -> memref<10240x16xf32, #tpu.memory_space<hbm>>
    %dma_start3A_47 = tpu.memref_slice %arg9[%dma_start3A_36] : memref<8x!tpu.dma_semaphore, #tpu.memory_space<semaphore_mem>> -> memref<1x!tpu.dma_semaphore, #tpu.memory_space<semaphore_mem>>
    %dma_start3A_48 = tpu.memref_squeeze %dma_start3A_47 : memref<1x!tpu.dma_semaphore, #tpu.memory_space<semaphore_mem>> -> memref<!tpu.dma_semaphore, #tpu.memory_space<semaphore_mem>>
    tpu.enqueue_indirect_dma source(%dma_start3A_46 : memref<10240x16xf32, #tpu.memory_space<hbm>>) target(%dma_start3A_40 : memref<512x16xf32, #tpu.memory_space<vmem>>) offsets(%dma_start3A_43 : memref<512xi32, #tpu.memory_space<vmem>>) semaphore(%dma_start3A_48 : memref<!tpu.dma_semaphore, #tpu.memory_space<semaphore_mem>>)
    %dma_start3A_49 = arith.constant 0 : i32
    %dma_start3A_50 = arith.constant 3 : i32
    %dma_start3A_51 = arith.constant 3 : i32
    %dma_start3A_52 = arith.constant 0 : i32
    %dma_start3A_53 = arith.constant 0 : i32
    %dma_start3A_54 = tpu.memref_slice %arg7[%dma_start3A_50, %dma_start3A_52, %dma_start3A_53] : memref<8x512x16xf32, #tpu.memory_space<vmem>> -> memref<1x512x16xf32, #tpu.memory_space<vmem>>
    %dma_start3A_55 = tpu.memref_squeeze %dma_start3A_54 : memref<1x512x16xf32, #tpu.memory_space<vmem>> -> memref<512x16xf32, #tpu.memory_space<vmem>>
    %dma_start3A_56 = arith.constant 1536 : i32
    %dma_start3A_57 = tpu.memref_slice %arg6[%dma_start3A_49, %dma_start3A_56] : memref<2x20000xi32, #tpu.memory_space<vmem>> -> memref<1x512xi32, #tpu.memory_space<vmem>>
    %dma_start3A_58 = tpu.memref_squeeze %dma_start3A_57 : memref<1x512xi32, #tpu.memory_space<vmem>> -> memref<512xi32, #tpu.memory_space<vmem>>
    %dma_start3A_59 = arith.constant 0 : i32
    %dma_start3A_60 = arith.constant 0 : i32
    %dma_start3A_61 = tpu.memref_slice %arg2[%dma_start3A_59, %dma_start3A_60] : memref<10240x16xf32, #tpu.memory_space<hbm>> -> memref<10240x16xf32, #tpu.memory_space<hbm>>
    %dma_start3A_62 = tpu.memref_slice %arg9[%dma_start3A_51] : memref<8x!tpu.dma_semaphore, #tpu.memory_space<semaphore_mem>> -> memref<1x!tpu.dma_semaphore, #tpu.memory_space<semaphore_mem>>
    %dma_start3A_63 = tpu.memref_squeeze %dma_start3A_62 : memref<1x!tpu.dma_semaphore, #tpu.memory_space<semaphore_mem>> -> memref<!tpu.dma_semaphore, #tpu.memory_space<semaphore_mem>>
    tpu.enqueue_indirect_dma source(%dma_start3A_61 : memref<10240x16xf32, #tpu.memory_space<hbm>>) target(%dma_start3A_55 : memref<512x16xf32, #tpu.memory_space<vmem>>) offsets(%dma_start3A_58 : memref<512xi32, #tpu.memory_space<vmem>>) semaphore(%dma_start3A_63 : memref<!tpu.dma_semaphore, #tpu.memory_space<semaphore_mem>>)
    %scan3A = arith.constant 0 : i32
    %scan3A_64 = arith.constant 0 : i32
    %scan3A_65 = arith.constant 39 : i32
    %scan3A_66 = arith.addi %scan3A_64, %scan3A_65 : i32
    %scan3A_67 = arith.constant 1 : i32
    scf.for %scan3A_224 = %scan3A_64 to %scan3A_66 step %scan3A_67  : i32 {
      %add3A_225 = arith.constant 4 : i32
      %add3A_226 = arith.addi %scan3A_224, %add3A_225 : i32
      %lt3A = arith.constant 39 : i32
      %lt3A_227 = arith.cmpi slt, %add3A_226, %lt3A : i32
      %convert_element_type3A = arith.extui %lt3A_227 : i1 to i32
      %cond3A = arith.constant 0 : i32
      %cond3A_228 = arith.cmpi ne, %convert_element_type3A, %cond3A : i32
      scf.if %cond3A_228 {
        %rem3A_258 = arith.constant 8 : i32
        %rem3A_259 = arith.remsi %add3A_226, %rem3A_258 : i32
        %ge3A = arith.constant 8 : i32
        %ge3A_260 = arith.cmpi sge, %add3A_226, %ge3A : i32
        %convert_element_type3A_261 = arith.extui %ge3A_260 : i1 to i32
        %cond3A_262 = arith.constant 0 : i32
        %cond3A_263 = arith.cmpi ne, %convert_element_type3A_261, %cond3A_262 : i32
        scf.if %cond3A_263 {
          %sub3A = arith.constant 8 : i32
          %sub3A_278 = arith.subi %add3A_226, %sub3A : i32
          %mul3A_279 = arith.constant 512 : i32
          %mul3A_280 = arith.muli %sub3A_278, %mul3A_279 : i32
          %dma_wait3A_281 = arith.constant 1 : i32
          %dma_wait3A_282 = arith.constant 0 : i32
          %dma_wait3A_283 = arith.constant 0 : i32
          %dma_wait3A_284 = tpu.memref_slice %arg7[%rem3A_259, %dma_wait3A_282, %dma_wait3A_283] : memref<8x512x16xf32, #tpu.memory_space<vmem>> -> memref<1x512x16xf32, #tpu.memory_space<vmem>>
          %dma_wait3A_285 = tpu.memref_squeeze %dma_wait3A_284 : memref<1x512x16xf32, #tpu.memory_space<vmem>> -> memref<512x16xf32, #tpu.memory_space<vmem>>
          %dma_wait3A_286 = tpu.memref_slice %arg6[%dma_wait3A_281, %mul3A_280] : memref<2x20000xi32, #tpu.memory_space<vmem>> -> memref<1x512xi32, #tpu.memory_space<vmem>>
          %dma_wait3A_287 = tpu.memref_squeeze %dma_wait3A_286 : memref<1x512xi32, #tpu.memory_space<vmem>> -> memref<512xi32, #tpu.memory_space<vmem>>
          %dma_wait3A_288 = arith.constant 0 : i32
          %dma_wait3A_289 = arith.constant 0 : i32
          %dma_wait3A_290 = tpu.memref_slice %arg8[%dma_wait3A_288, %dma_wait3A_289] : memref<10240x16xf32, #tpu.memory_space<vmem_shared>> -> memref<10240x16xf32, #tpu.memory_space<vmem_shared>>
          %dma_wait3A_291 = tpu.memref_slice %arg10[%rem3A_259] : memref<8x!tpu.dma_semaphore, #tpu.memory_space<semaphore_mem>> -> memref<1x!tpu.dma_semaphore, #tpu.memory_space<semaphore_mem>>
          %dma_wait3A_292 = tpu.memref_squeeze %dma_wait3A_291 : memref<1x!tpu.dma_semaphore, #tpu.memory_space<semaphore_mem>> -> memref<!tpu.dma_semaphore, #tpu.memory_space<semaphore_mem>>
          tpu.wait_indirect_dma semaphore(%dma_wait3A_292 : memref<!tpu.dma_semaphore, #tpu.memory_space<semaphore_mem>>) src(%dma_wait3A_285 : memref<512x16xf32, #tpu.memory_space<vmem>>) dst(%dma_wait3A_290 : memref<10240x16xf32, #tpu.memory_space<vmem_shared>>)
        } else {
        }
        %mul3A_264 = arith.constant 512 : i32
        %mul3A_265 = arith.muli %add3A_226, %mul3A_264 : i32
        %dma_start3A_266 = arith.constant 0 : i32
        %dma_start3A_267 = arith.constant 0 : i32
        %dma_start3A_268 = arith.constant 0 : i32
        %dma_start3A_269 = tpu.memref_slice %arg7[%rem3A_259, %dma_start3A_267, %dma_start3A_268] : memref<8x512x16xf32, #tpu.memory_space<vmem>> -> memref<1x512x16xf32, #tpu.memory_space<vmem>>
        %dma_start3A_270 = tpu.memref_squeeze %dma_start3A_269 : memref<1x512x16xf32, #tpu.memory_space<vmem>> -> memref<512x16xf32, #tpu.memory_space<vmem>>
        %dma_start3A_271 = tpu.memref_slice %arg6[%dma_start3A_266, %mul3A_265] : memref<2x20000xi32, #tpu.memory_space<vmem>> -> memref<1x512xi32, #tpu.memory_space<vmem>>
        %dma_start3A_272 = tpu.memref_squeeze %dma_start3A_271 : memref<1x512xi32, #tpu.memory_space<vmem>> -> memref<512xi32, #tpu.memory_space<vmem>>
        %dma_start3A_273 = arith.constant 0 : i32
        %dma_start3A_274 = arith.constant 0 : i32
        %dma_start3A_275 = tpu.memref_slice %arg2[%dma_start3A_273, %dma_start3A_274] : memref<10240x16xf32, #tpu.memory_space<hbm>> -> memref<10240x16xf32, #tpu.memory_space<hbm>>
        %dma_start3A_276 = tpu.memref_slice %arg9[%rem3A_259] : memref<8x!tpu.dma_semaphore, #tpu.memory_space<semaphore_mem>> -> memref<1x!tpu.dma_semaphore, #tpu.memory_space<semaphore_mem>>
        %dma_start3A_277 = tpu.memref_squeeze %dma_start3A_276 : memref<1x!tpu.dma_semaphore, #tpu.memory_space<semaphore_mem>> -> memref<!tpu.dma_semaphore, #tpu.memory_space<semaphore_mem>>
        tpu.enqueue_indirect_dma source(%dma_start3A_275 : memref<10240x16xf32, #tpu.memory_space<hbm>>) target(%dma_start3A_270 : memref<512x16xf32, #tpu.memory_space<vmem>>) offsets(%dma_start3A_272 : memref<512xi32, #tpu.memory_space<vmem>>) semaphore(%dma_start3A_277 : memref<!tpu.dma_semaphore, #tpu.memory_space<semaphore_mem>>)
      } else {
      }
      %rem3A = arith.constant 8 : i32
      %rem3A_229 = arith.remsi %scan3A_224, %rem3A : i32
      %mul3A_230 = arith.constant 512 : i32
      %mul3A_231 = arith.muli %scan3A_224, %mul3A_230 : i32
      %dma_wait3A_232 = arith.constant 0 : i32
      %dma_wait3A_233 = arith.constant 0 : i32
      %dma_wait3A_234 = arith.constant 0 : i32
      %dma_wait3A_235 = tpu.memref_slice %arg7[%rem3A_229, %dma_wait3A_233, %dma_wait3A_234] : memref<8x512x16xf32, #tpu.memory_space<vmem>> -> memref<1x512x16xf32, #tpu.memory_space<vmem>>
      %dma_wait3A_236 = tpu.memref_squeeze %dma_wait3A_235 : memref<1x512x16xf32, #tpu.memory_space<vmem>> -> memref<512x16xf32, #tpu.memory_space<vmem>>
      %dma_wait3A_237 = tpu.memref_slice %arg6[%dma_wait3A_232, %mul3A_231] : memref<2x20000xi32, #tpu.memory_space<vmem>> -> memref<1x512xi32, #tpu.memory_space<vmem>>
      %dma_wait3A_238 = tpu.memref_squeeze %dma_wait3A_237 : memref<1x512xi32, #tpu.memory_space<vmem>> -> memref<512xi32, #tpu.memory_space<vmem>>
      %dma_wait3A_239 = arith.constant 0 : i32
      %dma_wait3A_240 = arith.constant 0 : i32
      %dma_wait3A_241 = tpu.memref_slice %arg2[%dma_wait3A_239, %dma_wait3A_240] : memref<10240x16xf32, #tpu.memory_space<hbm>> -> memref<10240x16xf32, #tpu.memory_space<hbm>>
      %dma_wait3A_242 = tpu.memref_slice %arg9[%rem3A_229] : memref<8x!tpu.dma_semaphore, #tpu.memory_space<semaphore_mem>> -> memref<1x!tpu.dma_semaphore, #tpu.memory_space<semaphore_mem>>
      %dma_wait3A_243 = tpu.memref_squeeze %dma_wait3A_242 : memref<1x!tpu.dma_semaphore, #tpu.memory_space<semaphore_mem>> -> memref<!tpu.dma_semaphore, #tpu.memory_space<semaphore_mem>>
      tpu.wait_indirect_dma semaphore(%dma_wait3A_243 : memref<!tpu.dma_semaphore, #tpu.memory_space<semaphore_mem>>) src(%dma_wait3A_241 : memref<10240x16xf32, #tpu.memory_space<hbm>>) dst(%dma_wait3A_236 : memref<512x16xf32, #tpu.memory_space<vmem>>)
      %mul3A_244 = arith.constant 512 : i32
      %mul3A_245 = arith.muli %scan3A_224, %mul3A_244 : i32
      %dma_start3A_246 = arith.constant 1 : i32
      %dma_start3A_247 = arith.constant 0 : i32
      %dma_start3A_248 = arith.constant 0 : i32
      %dma_start3A_249 = tpu.memref_slice %arg7[%rem3A_229, %dma_start3A_247, %dma_start3A_248] : memref<8x512x16xf32, #tpu.memory_space<vmem>> -> memref<1x512x16xf32, #tpu.memory_space<vmem>>
      %dma_start3A_250 = tpu.memref_squeeze %dma_start3A_249 : memref<1x512x16xf32, #tpu.memory_space<vmem>> -> memref<512x16xf32, #tpu.memory_space<vmem>>
      %dma_start3A_251 = tpu.memref_slice %arg6[%dma_start3A_246, %mul3A_245] : memref<2x20000xi32, #tpu.memory_space<vmem>> -> memref<1x512xi32, #tpu.memory_space<vmem>>
      %dma_start3A_252 = tpu.memref_squeeze %dma_start3A_251 : memref<1x512xi32, #tpu.memory_space<vmem>> -> memref<512xi32, #tpu.memory_space<vmem>>
      %dma_start3A_253 = arith.constant 0 : i32
      %dma_start3A_254 = arith.constant 0 : i32
      %dma_start3A_255 = tpu.memref_slice %arg8[%dma_start3A_253, %dma_start3A_254] : memref<10240x16xf32, #tpu.memory_space<vmem_shared>> -> memref<10240x16xf32, #tpu.memory_space<vmem_shared>>
      %dma_start3A_256 = tpu.memref_slice %arg10[%rem3A_229] : memref<8x!tpu.dma_semaphore, #tpu.memory_space<semaphore_mem>> -> memref<1x!tpu.dma_semaphore, #tpu.memory_space<semaphore_mem>>
      %dma_start3A_257 = tpu.memref_squeeze %dma_start3A_256 : memref<1x!tpu.dma_semaphore, #tpu.memory_space<semaphore_mem>> -> memref<!tpu.dma_semaphore, #tpu.memory_space<semaphore_mem>>
      tpu.enqueue_indirect_dma source(%dma_start3A_250 : memref<512x16xf32, #tpu.memory_space<vmem>>) target(%dma_start3A_255 : memref<10240x16xf32, #tpu.memory_space<vmem_shared>>) offsets(%dma_start3A_252 : memref<512xi32, #tpu.memory_space<vmem>>) semaphore(%dma_start3A_257 : memref<!tpu.dma_semaphore, #tpu.memory_space<semaphore_mem>>) {add = true}
    }
    %scan3A_68 = arith.constant 39 : i32
    %dma_wait3A = arith.constant 7 : i32
    %dma_wait3A_69 = arith.constant 1 : i32
    %dma_wait3A_70 = arith.constant 7 : i32
    %dma_wait3A_71 = arith.constant 0 : i32
    %dma_wait3A_72 = arith.constant 0 : i32
    %dma_wait3A_73 = tpu.memref_slice %arg7[%dma_wait3A, %dma_wait3A_71, %dma_wait3A_72] : memref<8x512x16xf32, #tpu.memory_space<vmem>> -> memref<1x512x16xf32, #tpu.memory_space<vmem>>
    %dma_wait3A_74 = tpu.memref_squeeze %dma_wait3A_73 : memref<1x512x16xf32, #tpu.memory_space<vmem>> -> memref<512x16xf32, #tpu.memory_space<vmem>>
    %dma_wait3A_75 = arith.constant 15872 : i32
    %dma_wait3A_76 = tpu.memref_slice %arg6[%dma_wait3A_69, %dma_wait3A_75] : memref<2x20000xi32, #tpu.memory_space<vmem>> -> memref<1x512xi32, #tpu.memory_space<vmem>>
    %dma_wait3A_77 = tpu.memref_squeeze %dma_wait3A_76 : memref<1x512xi32, #tpu.memory_space<vmem>> -> memref<512xi32, #tpu.memory_space<vmem>>
    %dma_wait3A_78 = arith.constant 0 : i32
    %dma_wait3A_79 = arith.constant 0 : i32
    %dma_wait3A_80 = tpu.memref_slice %arg8[%dma_wait3A_78, %dma_wait3A_79] : memref<10240x16xf32, #tpu.memory_space<vmem_shared>> -> memref<10240x16xf32, #tpu.memory_space<vmem_shared>>
    %dma_wait3A_81 = tpu.memref_slice %arg10[%dma_wait3A_70] : memref<8x!tpu.dma_semaphore, #tpu.memory_space<semaphore_mem>> -> memref<1x!tpu.dma_semaphore, #tpu.memory_space<semaphore_mem>>
    %dma_wait3A_82 = tpu.memref_squeeze %dma_wait3A_81 : memref<1x!tpu.dma_semaphore, #tpu.memory_space<semaphore_mem>> -> memref<!tpu.dma_semaphore, #tpu.memory_space<semaphore_mem>>
    tpu.wait_indirect_dma semaphore(%dma_wait3A_82 : memref<!tpu.dma_semaphore, #tpu.memory_space<semaphore_mem>>) src(%dma_wait3A_74 : memref<512x16xf32, #tpu.memory_space<vmem>>) dst(%dma_wait3A_80 : memref<10240x16xf32, #tpu.memory_space<vmem_shared>>)
    %dma_wait3A_83 = arith.constant 0 : i32
    %dma_wait3A_84 = arith.constant 1 : i32
    %dma_wait3A_85 = arith.constant 0 : i32
    %dma_wait3A_86 = arith.constant 0 : i32
    %dma_wait3A_87 = arith.constant 0 : i32
    %dma_wait3A_88 = tpu.memref_slice %arg7[%dma_wait3A_83, %dma_wait3A_86, %dma_wait3A_87] : memref<8x512x16xf32, #tpu.memory_space<vmem>> -> memref<1x512x16xf32, #tpu.memory_space<vmem>>
    %dma_wait3A_89 = tpu.memref_squeeze %dma_wait3A_88 : memref<1x512x16xf32, #tpu.memory_space<vmem>> -> memref<512x16xf32, #tpu.memory_space<vmem>>
    %dma_wait3A_90 = arith.constant 16384 : i32
    %dma_wait3A_91 = tpu.memref_slice %arg6[%dma_wait3A_84, %dma_wait3A_90] : memref<2x20000xi32, #tpu.memory_space<vmem>> -> memref<1x512xi32, #tpu.memory_space<vmem>>
    %dma_wait3A_92 = tpu.memref_squeeze %dma_wait3A_91 : memref<1x512xi32, #tpu.memory_space<vmem>> -> memref<512xi32, #tpu.memory_space<vmem>>
    %dma_wait3A_93 = arith.constant 0 : i32
    %dma_wait3A_94 = arith.constant 0 : i32
    %dma_wait3A_95 = tpu.memref_slice %arg8[%dma_wait3A_93, %dma_wait3A_94] : memref<10240x16xf32, #tpu.memory_space<vmem_shared>> -> memref<10240x16xf32, #tpu.memory_space<vmem_shared>>
    %dma_wait3A_96 = tpu.memref_slice %arg10[%dma_wait3A_85] : memref<8x!tpu.dma_semaphore, #tpu.memory_space<semaphore_mem>> -> memref<1x!tpu.dma_semaphore, #tpu.memory_space<semaphore_mem>>
    %dma_wait3A_97 = tpu.memref_squeeze %dma_wait3A_96 : memref<1x!tpu.dma_semaphore, #tpu.memory_space<semaphore_mem>> -> memref<!tpu.dma_semaphore, #tpu.memory_space<semaphore_mem>>
    tpu.wait_indirect_dma semaphore(%dma_wait3A_97 : memref<!tpu.dma_semaphore, #tpu.memory_space<semaphore_mem>>) src(%dma_wait3A_89 : memref<512x16xf32, #tpu.memory_space<vmem>>) dst(%dma_wait3A_95 : memref<10240x16xf32, #tpu.memory_space<vmem_shared>>)
    %dma_wait3A_98 = arith.constant 1 : i32
    %dma_wait3A_99 = arith.constant 1 : i32
    %dma_wait3A_100 = arith.constant 1 : i32
    %dma_wait3A_101 = arith.constant 0 : i32
    %dma_wait3A_102 = arith.constant 0 : i32
    %dma_wait3A_103 = tpu.memref_slice %arg7[%dma_wait3A_98, %dma_wait3A_101, %dma_wait3A_102] : memref<8x512x16xf32, #tpu.memory_space<vmem>> -> memref<1x512x16xf32, #tpu.memory_space<vmem>>
    %dma_wait3A_104 = tpu.memref_squeeze %dma_wait3A_103 : memref<1x512x16xf32, #tpu.memory_space<vmem>> -> memref<512x16xf32, #tpu.memory_space<vmem>>
    %dma_wait3A_105 = arith.constant 16896 : i32
    %dma_wait3A_106 = tpu.memref_slice %arg6[%dma_wait3A_99, %dma_wait3A_105] : memref<2x20000xi32, #tpu.memory_space<vmem>> -> memref<1x512xi32, #tpu.memory_space<vmem>>
    %dma_wait3A_107 = tpu.memref_squeeze %dma_wait3A_106 : memref<1x512xi32, #tpu.memory_space<vmem>> -> memref<512xi32, #tpu.memory_space<vmem>>
    %dma_wait3A_108 = arith.constant 0 : i32
    %dma_wait3A_109 = arith.constant 0 : i32
    %dma_wait3A_110 = tpu.memref_slice %arg8[%dma_wait3A_108, %dma_wait3A_109] : memref<10240x16xf32, #tpu.memory_space<vmem_shared>> -> memref<10240x16xf32, #tpu.memory_space<vmem_shared>>
    %dma_wait3A_111 = tpu.memref_slice %arg10[%dma_wait3A_100] : memref<8x!tpu.dma_semaphore, #tpu.memory_space<semaphore_mem>> -> memref<1x!tpu.dma_semaphore, #tpu.memory_space<semaphore_mem>>
    %dma_wait3A_112 = tpu.memref_squeeze %dma_wait3A_111 : memref<1x!tpu.dma_semaphore, #tpu.memory_space<semaphore_mem>> -> memref<!tpu.dma_semaphore, #tpu.memory_space<semaphore_mem>>
    tpu.wait_indirect_dma semaphore(%dma_wait3A_112 : memref<!tpu.dma_semaphore, #tpu.memory_space<semaphore_mem>>) src(%dma_wait3A_104 : memref<512x16xf32, #tpu.memory_space<vmem>>) dst(%dma_wait3A_110 : memref<10240x16xf32, #tpu.memory_space<vmem_shared>>)
    %dma_wait3A_113 = arith.constant 2 : i32
    %dma_wait3A_114 = arith.constant 1 : i32
    %dma_wait3A_115 = arith.constant 2 : i32
    %dma_wait3A_116 = arith.constant 0 : i32
    %dma_wait3A_117 = arith.constant 0 : i32
    %dma_wait3A_118 = tpu.memref_slice %arg7[%dma_wait3A_113, %dma_wait3A_116, %dma_wait3A_117] : memref<8x512x16xf32, #tpu.memory_space<vmem>> -> memref<1x512x16xf32, #tpu.memory_space<vmem>>
    %dma_wait3A_119 = tpu.memref_squeeze %dma_wait3A_118 : memref<1x512x16xf32, #tpu.memory_space<vmem>> -> memref<512x16xf32, #tpu.memory_space<vmem>>
    %dma_wait3A_120 = arith.constant 17408 : i32
    %dma_wait3A_121 = tpu.memref_slice %arg6[%dma_wait3A_114, %dma_wait3A_120] : memref<2x20000xi32, #tpu.memory_space<vmem>> -> memref<1x512xi32, #tpu.memory_space<vmem>>
    %dma_wait3A_122 = tpu.memref_squeeze %dma_wait3A_121 : memref<1x512xi32, #tpu.memory_space<vmem>> -> memref<512xi32, #tpu.memory_space<vmem>>
    %dma_wait3A_123 = arith.constant 0 : i32
    %dma_wait3A_124 = arith.constant 0 : i32
    %dma_wait3A_125 = tpu.memref_slice %arg8[%dma_wait3A_123, %dma_wait3A_124] : memref<10240x16xf32, #tpu.memory_space<vmem_shared>> -> memref<10240x16xf32, #tpu.memory_space<vmem_shared>>
    %dma_wait3A_126 = tpu.memref_slice %arg10[%dma_wait3A_115] : memref<8x!tpu.dma_semaphore, #tpu.memory_space<semaphore_mem>> -> memref<1x!tpu.dma_semaphore, #tpu.memory_space<semaphore_mem>>
    %dma_wait3A_127 = tpu.memref_squeeze %dma_wait3A_126 : memref<1x!tpu.dma_semaphore, #tpu.memory_space<semaphore_mem>> -> memref<!tpu.dma_semaphore, #tpu.memory_space<semaphore_mem>>
    tpu.wait_indirect_dma semaphore(%dma_wait3A_127 : memref<!tpu.dma_semaphore, #tpu.memory_space<semaphore_mem>>) src(%dma_wait3A_119 : memref<512x16xf32, #tpu.memory_space<vmem>>) dst(%dma_wait3A_125 : memref<10240x16xf32, #tpu.memory_space<vmem_shared>>)
    %dma_wait3A_128 = arith.constant 3 : i32
    %dma_wait3A_129 = arith.constant 1 : i32
    %dma_wait3A_130 = arith.constant 3 : i32
    %dma_wait3A_131 = arith.constant 0 : i32
    %dma_wait3A_132 = arith.constant 0 : i32
    %dma_wait3A_133 = tpu.memref_slice %arg7[%dma_wait3A_128, %dma_wait3A_131, %dma_wait3A_132] : memref<8x512x16xf32, #tpu.memory_space<vmem>> -> memref<1x512x16xf32, #tpu.memory_space<vmem>>
    %dma_wait3A_134 = tpu.memref_squeeze %dma_wait3A_133 : memref<1x512x16xf32, #tpu.memory_space<vmem>> -> memref<512x16xf32, #tpu.memory_space<vmem>>
    %dma_wait3A_135 = arith.constant 17920 : i32
    %dma_wait3A_136 = tpu.memref_slice %arg6[%dma_wait3A_129, %dma_wait3A_135] : memref<2x20000xi32, #tpu.memory_space<vmem>> -> memref<1x512xi32, #tpu.memory_space<vmem>>
    %dma_wait3A_137 = tpu.memref_squeeze %dma_wait3A_136 : memref<1x512xi32, #tpu.memory_space<vmem>> -> memref<512xi32, #tpu.memory_space<vmem>>
    %dma_wait3A_138 = arith.constant 0 : i32
    %dma_wait3A_139 = arith.constant 0 : i32
    %dma_wait3A_140 = tpu.memref_slice %arg8[%dma_wait3A_138, %dma_wait3A_139] : memref<10240x16xf32, #tpu.memory_space<vmem_shared>> -> memref<10240x16xf32, #tpu.memory_space<vmem_shared>>
    %dma_wait3A_141 = tpu.memref_slice %arg10[%dma_wait3A_130] : memref<8x!tpu.dma_semaphore, #tpu.memory_space<semaphore_mem>> -> memref<1x!tpu.dma_semaphore, #tpu.memory_space<semaphore_mem>>
    %dma_wait3A_142 = tpu.memref_squeeze %dma_wait3A_141 : memref<1x!tpu.dma_semaphore, #tpu.memory_space<semaphore_mem>> -> memref<!tpu.dma_semaphore, #tpu.memory_space<semaphore_mem>>
    tpu.wait_indirect_dma semaphore(%dma_wait3A_142 : memref<!tpu.dma_semaphore, #tpu.memory_space<semaphore_mem>>) src(%dma_wait3A_134 : memref<512x16xf32, #tpu.memory_space<vmem>>) dst(%dma_wait3A_140 : memref<10240x16xf32, #tpu.memory_space<vmem_shared>>)
    %dma_wait3A_143 = arith.constant 4 : i32
    %dma_wait3A_144 = arith.constant 1 : i32
    %dma_wait3A_145 = arith.constant 4 : i32
    %dma_wait3A_146 = arith.constant 0 : i32
    %dma_wait3A_147 = arith.constant 0 : i32
    %dma_wait3A_148 = tpu.memref_slice %arg7[%dma_wait3A_143, %dma_wait3A_146, %dma_wait3A_147] : memref<8x512x16xf32, #tpu.memory_space<vmem>> -> memref<1x512x16xf32, #tpu.memory_space<vmem>>
    %dma_wait3A_149 = tpu.memref_squeeze %dma_wait3A_148 : memref<1x512x16xf32, #tpu.memory_space<vmem>> -> memref<512x16xf32, #tpu.memory_space<vmem>>
    %dma_wait3A_150 = arith.constant 18432 : i32
    %dma_wait3A_151 = tpu.memref_slice %arg6[%dma_wait3A_144, %dma_wait3A_150] : memref<2x20000xi32, #tpu.memory_space<vmem>> -> memref<1x512xi32, #tpu.memory_space<vmem>>
    %dma_wait3A_152 = tpu.memref_squeeze %dma_wait3A_151 : memref<1x512xi32, #tpu.memory_space<vmem>> -> memref<512xi32, #tpu.memory_space<vmem>>
    %dma_wait3A_153 = arith.constant 0 : i32
    %dma_wait3A_154 = arith.constant 0 : i32
    %dma_wait3A_155 = tpu.memref_slice %arg8[%dma_wait3A_153, %dma_wait3A_154] : memref<10240x16xf32, #tpu.memory_space<vmem_shared>> -> memref<10240x16xf32, #tpu.memory_space<vmem_shared>>
    %dma_wait3A_156 = tpu.memref_slice %arg10[%dma_wait3A_145] : memref<8x!tpu.dma_semaphore, #tpu.memory_space<semaphore_mem>> -> memref<1x!tpu.dma_semaphore, #tpu.memory_space<semaphore_mem>>
    %dma_wait3A_157 = tpu.memref_squeeze %dma_wait3A_156 : memref<1x!tpu.dma_semaphore, #tpu.memory_space<semaphore_mem>> -> memref<!tpu.dma_semaphore, #tpu.memory_space<semaphore_mem>>
    tpu.wait_indirect_dma semaphore(%dma_wait3A_157 : memref<!tpu.dma_semaphore, #tpu.memory_space<semaphore_mem>>) src(%dma_wait3A_149 : memref<512x16xf32, #tpu.memory_space<vmem>>) dst(%dma_wait3A_155 : memref<10240x16xf32, #tpu.memory_space<vmem_shared>>)
    %dma_wait3A_158 = arith.constant 5 : i32
    %dma_wait3A_159 = arith.constant 1 : i32
    %dma_wait3A_160 = arith.constant 5 : i32
    %dma_wait3A_161 = arith.constant 0 : i32
    %dma_wait3A_162 = arith.constant 0 : i32
    %dma_wait3A_163 = tpu.memref_slice %arg7[%dma_wait3A_158, %dma_wait3A_161, %dma_wait3A_162] : memref<8x512x16xf32, #tpu.memory_space<vmem>> -> memref<1x512x16xf32, #tpu.memory_space<vmem>>
    %dma_wait3A_164 = tpu.memref_squeeze %dma_wait3A_163 : memref<1x512x16xf32, #tpu.memory_space<vmem>> -> memref<512x16xf32, #tpu.memory_space<vmem>>
    %dma_wait3A_165 = arith.constant 18944 : i32
    %dma_wait3A_166 = tpu.memref_slice %arg6[%dma_wait3A_159, %dma_wait3A_165] : memref<2x20000xi32, #tpu.memory_space<vmem>> -> memref<1x512xi32, #tpu.memory_space<vmem>>
    %dma_wait3A_167 = tpu.memref_squeeze %dma_wait3A_166 : memref<1x512xi32, #tpu.memory_space<vmem>> -> memref<512xi32, #tpu.memory_space<vmem>>
    %dma_wait3A_168 = arith.constant 0 : i32
    %dma_wait3A_169 = arith.constant 0 : i32
    %dma_wait3A_170 = tpu.memref_slice %arg8[%dma_wait3A_168, %dma_wait3A_169] : memref<10240x16xf32, #tpu.memory_space<vmem_shared>> -> memref<10240x16xf32, #tpu.memory_space<vmem_shared>>
    %dma_wait3A_171 = tpu.memref_slice %arg10[%dma_wait3A_160] : memref<8x!tpu.dma_semaphore, #tpu.memory_space<semaphore_mem>> -> memref<1x!tpu.dma_semaphore, #tpu.memory_space<semaphore_mem>>
    %dma_wait3A_172 = tpu.memref_squeeze %dma_wait3A_171 : memref<1x!tpu.dma_semaphore, #tpu.memory_space<semaphore_mem>> -> memref<!tpu.dma_semaphore, #tpu.memory_space<semaphore_mem>>
    tpu.wait_indirect_dma semaphore(%dma_wait3A_172 : memref<!tpu.dma_semaphore, #tpu.memory_space<semaphore_mem>>) src(%dma_wait3A_164 : memref<512x16xf32, #tpu.memory_space<vmem>>) dst(%dma_wait3A_170 : memref<10240x16xf32, #tpu.memory_space<vmem_shared>>)
    %dma_wait3A_173 = arith.constant 6 : i32
    %dma_wait3A_174 = arith.constant 1 : i32
    %dma_wait3A_175 = arith.constant 6 : i32
    %dma_wait3A_176 = arith.constant 0 : i32
    %dma_wait3A_177 = arith.constant 0 : i32
    %dma_wait3A_178 = tpu.memref_slice %arg7[%dma_wait3A_173, %dma_wait3A_176, %dma_wait3A_177] : memref<8x512x16xf32, #tpu.memory_space<vmem>> -> memref<1x512x16xf32, #tpu.memory_space<vmem>>
    %dma_wait3A_179 = tpu.memref_squeeze %dma_wait3A_178 : memref<1x512x16xf32, #tpu.memory_space<vmem>> -> memref<512x16xf32, #tpu.memory_space<vmem>>
    %dma_wait3A_180 = arith.constant 19456 : i32
    %dma_wait3A_181 = tpu.memref_slice %arg6[%dma_wait3A_174, %dma_wait3A_180] : memref<2x20000xi32, #tpu.memory_space<vmem>> -> memref<1x512xi32, #tpu.memory_space<vmem>>
    %dma_wait3A_182 = tpu.memref_squeeze %dma_wait3A_181 : memref<1x512xi32, #tpu.memory_space<vmem>> -> memref<512xi32, #tpu.memory_space<vmem>>
    %dma_wait3A_183 = arith.constant 0 : i32
    %dma_wait3A_184 = arith.constant 0 : i32
    %dma_wait3A_185 = tpu.memref_slice %arg8[%dma_wait3A_183, %dma_wait3A_184] : memref<10240x16xf32, #tpu.memory_space<vmem_shared>> -> memref<10240x16xf32, #tpu.memory_space<vmem_shared>>
    %dma_wait3A_186 = tpu.memref_slice %arg10[%dma_wait3A_175] : memref<8x!tpu.dma_semaphore, #tpu.memory_space<semaphore_mem>> -> memref<1x!tpu.dma_semaphore, #tpu.memory_space<semaphore_mem>>
    %dma_wait3A_187 = tpu.memref_squeeze %dma_wait3A_186 : memref<1x!tpu.dma_semaphore, #tpu.memory_space<semaphore_mem>> -> memref<!tpu.dma_semaphore, #tpu.memory_space<semaphore_mem>>
    tpu.wait_indirect_dma semaphore(%dma_wait3A_187 : memref<!tpu.dma_semaphore, #tpu.memory_space<semaphore_mem>>) src(%dma_wait3A_179 : memref<512x16xf32, #tpu.memory_space<vmem>>) dst(%dma_wait3A_185 : memref<10240x16xf32, #tpu.memory_space<vmem_shared>>)
    %dma_start3A_188 = arith.constant 0 : i32
    %dma_start3A_189 = arith.constant 0 : i32
    %dma_start3A_190 = arith.constant 0 : i32
    %dma_start3A_191 = arith.constant 0 : i32
    %dma_start3A_192 = arith.constant 0 : i32
    %dma_start3A_193 = tpu.memref_slice %arg7[%dma_start3A_189, %dma_start3A_191, %dma_start3A_192] : memref<8x512x16xf32, #tpu.memory_space<vmem>> -> memref<1x32x16xf32, #tpu.memory_space<vmem>>
    %dma_start3A_194 = tpu.memref_squeeze %dma_start3A_193 : memref<1x32x16xf32, #tpu.memory_space<vmem>> -> memref<32x16xf32, #tpu.memory_space<vmem>>
    %dma_start3A_195 = arith.constant 19968 : i32
    %dma_start3A_196 = tpu.memref_slice %arg6[%dma_start3A_188, %dma_start3A_195] : memref<2x20000xi32, #tpu.memory_space<vmem>> -> memref<1x32xi32, #tpu.memory_space<vmem>>
    %dma_start3A_197 = tpu.memref_squeeze %dma_start3A_196 : memref<1x32xi32, #tpu.memory_space<vmem>> -> memref<32xi32, #tpu.memory_space<vmem>>
    %dma_start3A_198 = arith.constant 0 : i32
    %dma_start3A_199 = arith.constant 0 : i32
    %dma_start3A_200 = tpu.memref_slice %arg2[%dma_start3A_198, %dma_start3A_199] : memref<10240x16xf32, #tpu.memory_space<hbm>> -> memref<10240x16xf32, #tpu.memory_space<hbm>>
    %dma_start3A_201 = tpu.memref_slice %arg9[%dma_start3A_190] : memref<8x!tpu.dma_semaphore, #tpu.memory_space<semaphore_mem>> -> memref<1x!tpu.dma_semaphore, #tpu.memory_space<semaphore_mem>>
    %dma_start3A_202 = tpu.memref_squeeze %dma_start3A_201 : memref<1x!tpu.dma_semaphore, #tpu.memory_space<semaphore_mem>> -> memref<!tpu.dma_semaphore, #tpu.memory_space<semaphore_mem>>
    tpu.enqueue_indirect_dma source(%dma_start3A_200 : memref<10240x16xf32, #tpu.memory_space<hbm>>) target(%dma_start3A_194 : memref<32x16xf32, #tpu.memory_space<vmem>>) offsets(%dma_start3A_197 : memref<32xi32, #tpu.memory_space<vmem>>) semaphore(%dma_start3A_202 : memref<!tpu.dma_semaphore, #tpu.memory_space<semaphore_mem>>)
    %dma_wait3A_203 = arith.constant 0 : i32
    %dma_wait3A_204 = arith.constant 0 : i32
    %dma_wait3A_205 = arith.constant 0 : i32
    %dma_wait3A_206 = arith.constant 0 : i32
    %dma_wait3A_207 = arith.constant 0 : i32
    %dma_wait3A_208 = tpu.memref_slice %arg7[%dma_wait3A_204, %dma_wait3A_206, %dma_wait3A_207] : memref<8x512x16xf32, #tpu.memory_space<vmem>> -> memref<1x32x16xf32, #tpu.memory_space<vmem>>
    %dma_wait3A_209 = tpu.memref_squeeze %dma_wait3A_208 : memref<1x32x16xf32, #tpu.memory_space<vmem>> -> memref<32x16xf32, #tpu.memory_space<vmem>>
    %dma_wait3A_210 = arith.constant 19968 : i32
    %dma_wait3A_211 = tpu.memref_slice %arg6[%dma_wait3A_203, %dma_wait3A_210] : memref<2x20000xi32, #tpu.memory_space<vmem>> -> memref<1x32xi32, #tpu.memory_space<vmem>>
    %dma_wait3A_212 = tpu.memref_squeeze %dma_wait3A_211 : memref<1x32xi32, #tpu.memory_space<vmem>> -> memref<32xi32, #tpu.memory_space<vmem>>
    %dma_wait3A_213 = arith.constant 0 : i32
    %dma_wait3A_214 = arith.constant 0 : i32
    %dma_wait3A_215 = tpu.memref_slice %arg2[%dma_wait3A_213, %dma_wait3A_214] : memref<10240x16xf32, #tpu.memory_space<hbm>> -> memref<10240x16xf32, #tpu.memory_space<hbm>>
    %dma_wait3A_216 = tpu.memref_slice %arg9[%dma_wait3A_205] : memref<8x!tpu.dma_semaphore, #tpu.memory_space<semaphore_mem>> -> memref<1x!tpu.dma_semaphore, #tpu.memory_space<semaphore_mem>>
    %dma_wait3A_217 = tpu.memref_squeeze %dma_wait3A_216 : memref<1x!tpu.dma_semaphore, #tpu.memory_space<semaphore_mem>> -> memref<!tpu.dma_semaphore, #tpu.memory_space<semaphore_mem>>
    tpu.wait_indirect_dma semaphore(%dma_wait3A_217 : memref<!tpu.dma_semaphore, #tpu.memory_space<semaphore_mem>>) src(%dma_wait3A_215 : memref<10240x16xf32, #tpu.memory_space<hbm>>) dst(%dma_wait3A_209 : memref<32x16xf32, #tpu.memory_space<vmem>>)
    %run_scoped3A = arith.constant 0 : i32
    %run_scoped3A_218 = arith.constant 1 : i32
    "tpu.region"() ({
      %run_scoped3A_224 = tpu.sem_alloc : memref<!tpu.dma_semaphore, #tpu.memory_space<semaphore_mem>>
      %dma_start3A_225 = arith.constant 0 : i32
      %dma_start3A_226 = arith.constant 0 : i32
      %dma_start3A_227 = tpu.memref_slice %arg7[%run_scoped3A, %dma_start3A_225, %dma_start3A_226] : memref<8x512x16xf32, #tpu.memory_space<vmem>> -> memref<1x32x16xf32, #tpu.memory_space<vmem>>
      %dma_start3A_228 = tpu.memref_squeeze %dma_start3A_227 : memref<1x32x16xf32, #tpu.memory_space<vmem>> -> memref<32x16xf32, #tpu.memory_space<vmem>>
      %dma_start3A_229 = arith.constant 19968 : i32
      %dma_start3A_230 = tpu.memref_slice %arg6[%run_scoped3A_218, %dma_start3A_229] : memref<2x20000xi32, #tpu.memory_space<vmem>> -> memref<1x32xi32, #tpu.memory_space<vmem>>
      %dma_start3A_231 = tpu.memref_squeeze %dma_start3A_230 : memref<1x32xi32, #tpu.memory_space<vmem>> -> memref<32xi32, #tpu.memory_space<vmem>>
      %dma_start3A_232 = arith.constant 0 : i32
      %dma_start3A_233 = arith.constant 0 : i32
      %dma_start3A_234 = tpu.memref_slice %arg8[%dma_start3A_232, %dma_start3A_233] : memref<10240x16xf32, #tpu.memory_space<vmem_shared>> -> memref<10240x16xf32, #tpu.memory_space<vmem_shared>>
      tpu.enqueue_indirect_dma source(%dma_start3A_228 : memref<32x16xf32, #tpu.memory_space<vmem>>) target(%dma_start3A_234 : memref<10240x16xf32, #tpu.memory_space<vmem_shared>>) offsets(%dma_start3A_231 : memref<32xi32, #tpu.memory_space<vmem>>) semaphore(%run_scoped3A_224 : memref<!tpu.dma_semaphore, #tpu.memory_space<semaphore_mem>>) {add = true}
      %dma_wait3A_235 = arith.constant 0 : i32
      %dma_wait3A_236 = arith.constant 0 : i32
      %dma_wait3A_237 = tpu.memref_slice %arg7[%run_scoped3A, %dma_wait3A_235, %dma_wait3A_236] : memref<8x512x16xf32, #tpu.memory_space<vmem>> -> memref<1x32x16xf32, #tpu.memory_space<vmem>>
      %dma_wait3A_238 = tpu.memref_squeeze %dma_wait3A_237 : memref<1x32x16xf32, #tpu.memory_space<vmem>> -> memref<32x16xf32, #tpu.memory_space<vmem>>
      %dma_wait3A_239 = arith.constant 19968 : i32
      %dma_wait3A_240 = tpu.memref_slice %arg6[%run_scoped3A_218, %dma_wait3A_239] : memref<2x20000xi32, #tpu.memory_space<vmem>> -> memref<1x32xi32, #tpu.memory_space<vmem>>
      %dma_wait3A_241 = tpu.memref_squeeze %dma_wait3A_240 : memref<1x32xi32, #tpu.memory_space<vmem>> -> memref<32xi32, #tpu.memory_space<vmem>>
      %dma_wait3A_242 = arith.constant 0 : i32
      %dma_wait3A_243 = arith.constant 0 : i32
      %dma_wait3A_244 = tpu.memref_slice %arg8[%dma_wait3A_242, %dma_wait3A_243] : memref<10240x16xf32, #tpu.memory_space<vmem_shared>> -> memref<10240x16xf32, #tpu.memory_space<vmem_shared>>
      tpu.wait_indirect_dma semaphore(%run_scoped3A_224 : memref<!tpu.dma_semaphore, #tpu.memory_space<semaphore_mem>>) src(%dma_wait3A_238 : memref<32x16xf32, #tpu.memory_space<vmem>>) dst(%dma_wait3A_244 : memref<10240x16xf32, #tpu.memory_space<vmem_shared>>)
      tpu.yield
    }) : () -> ()
    %barrier3A_219 = arith.constant 0 : index
    tpu.barrier barrier_id(%barrier3A_219)
    %mul3A_220 = arith.constant 640 : i32
    %mul3A_221 = arith.muli %arg1, %mul3A_220 : i32
    %mul3A_222 = arith.constant 640 : i32
    %mul3A_223 = arith.muli %arg1, %mul3A_222 : i32
    "tpu.region"() ({
      %run_scoped3A_224 = tpu.sem_alloc : memref<!tpu.dma_semaphore, #tpu.memory_space<semaphore_mem>>
      %dma_start3A_225 = arith.constant 0 : i32
      %dma_start3A_226 = tpu.memref_slice %arg5[%arg0, %mul3A_223, %dma_start3A_225] : memref<2x10240x128xf32, #tpu.memory_space<hbm>> -> memref<1x640x16xf32, #tpu.memory_space<hbm>>
      %dma_start3A_227 = tpu.memref_squeeze %dma_start3A_226 : memref<1x640x16xf32, #tpu.memory_space<hbm>> -> memref<640x16xf32, #tpu.memory_space<hbm>>
      %dma_start3A_228 = arith.constant 0 : i32
      %dma_start3A_229 = tpu.memref_slice %arg8[%mul3A_221, %dma_start3A_228] : memref<10240x16xf32, #tpu.memory_space<vmem_shared>> -> memref<640x16xf32, #tpu.memory_space<vmem_shared>>
      tpu.enqueue_dma source(%dma_start3A_229 : memref<640x16xf32, #tpu.memory_space<vmem_shared>>) target(%dma_start3A_227 : memref<640x16xf32, #tpu.memory_space<hbm>>) target_semaphore(%run_scoped3A_224 : memref<!tpu.dma_semaphore, #tpu.memory_space<semaphore_mem>>)
      %dma_wait3A_230 = arith.constant 0 : i32
      %dma_wait3A_231 = tpu.memref_slice %arg5[%arg0, %mul3A_223, %dma_wait3A_230] : memref<2x10240x128xf32, #tpu.memory_space<hbm>> -> memref<1x640x16xf32, #tpu.memory_space<hbm>>
      %dma_wait3A_232 = tpu.memref_squeeze %dma_wait3A_231 : memref<1x640x16xf32, #tpu.memory_space<hbm>> -> memref<640x16xf32, #tpu.memory_space<hbm>>
      %dma_wait3A_233 = arith.constant 0 : i32
      %dma_wait3A_234 = tpu.memref_slice %arg8[%mul3A_221, %dma_wait3A_233] : memref<10240x16xf32, #tpu.memory_space<vmem_shared>> -> memref<640x16xf32, #tpu.memory_space<vmem_shared>>
      tpu.wait_dma2 semaphore(%run_scoped3A_224 : memref<!tpu.dma_semaphore, #tpu.memory_space<semaphore_mem>>) src(%dma_wait3A_234 : memref<640x16xf32, #tpu.memory_space<vmem_shared>>) dst(%dma_wait3A_232 : memref<640x16xf32, #tpu.memory_space<hbm>>)
      tpu.yield
    }) : () -> ()
    return
  }
}

module attributes {stable_mosaic.version = 14 : i64} {
  func.func @_pre_body(%arg0: memref<10000x16xf32, #tpu.memory_space<vmem>>, %arg1: memref<16x16xf32, #tpu.memory_space<vmem>>, %arg2: memref<16x1xf32, #tpu.memory_space<vmem>>, %arg3: memref<10240x16xf32, #tpu.memory_space<vmem>>) attributes {dimension_semantics = [], scalar_prefetch = 0 : i64, scratch_operands = 0 : i64, tpu.core_type = #tpu.core_type<tc>} {
    %get3A = arith.constant 0 : index
    %get3A_0 = arith.constant 0 : index
    %get3A_1 = vector.load %arg0[%get3A, %get3A_0] : memref<10000x16xf32, #tpu.memory_space<vmem>>, vector<10000x16xf32>
    %get3A_2 = arith.constant 0 : index
    %get3A_3 = arith.constant 0 : index
    %get3A_4 = vector.load %arg1[%get3A_2, %get3A_3] : memref<16x16xf32, #tpu.memory_space<vmem>>, vector<16x16xf32>
    %dot_general3A = arith.constant dense<0.000000e+00> : vector<10000x16xf32>
    %dot_general3A_5 = tpu.matmul %get3A_1, %get3A_4, %dot_general3A {dimension_numbers = #tpu.dot_dimension_numbers<[1], [0], [0], [1], [0, 0, 1, 1], [], []>, transpose_lhs_hint = false} : vector<10000x16xf32>, vector<16x16xf32>, vector<10000x16xf32> -> vector<10000x16xf32>
    %get3A_6 = arith.constant 0 : index
    %get3A_7 = arith.constant 0 : index
    %get3A_8 = vector.load %arg2[%get3A_6, %get3A_7] : memref<16x1xf32, #tpu.memory_space<vmem>>, vector<16x1xf32>
    %dot_general3A_9 = arith.constant dense<0.000000e+00> : vector<10000x1xf32>
    %dot_general3A_10 = tpu.matmul %dot_general3A_5, %get3A_8, %dot_general3A_9 {dimension_numbers = #tpu.dot_dimension_numbers<[1], [0], [0], [1], [0, 0, 1, 1], [], []>, transpose_lhs_hint = false} : vector<10000x16xf32>, vector<16x1xf32>, vector<10000x1xf32> -> vector<10000x1xf32>
    %gt3A = arith.constant 0.000000e+00 : f32
    %gt3A_11 = vector.broadcast %gt3A : f32 to vector<10000x1xf32>
    %gt3A_12 = arith.cmpf ogt, %dot_general3A_10, %gt3A_11 : vector<10000x1xf32>
    %mul3A = arith.constant 2.000000e-01 : f32
    %mul3A_13 = vector.broadcast %mul3A : f32 to vector<10000x1xf32>
    %mul3A_14 = arith.mulf %mul3A_13, %dot_general3A_10 : vector<10000x1xf32>
    %select_n3A = arith.select %gt3A_12, %dot_general3A_10, %mul3A_14 : vector<10000x1xi1>, vector<10000x1xf32>
    %logistic3A = arith.negf %select_n3A : vector<10000x1xf32>
    %logistic3A_15 = math.exp %logistic3A : vector<10000x1xf32>
    %logistic3A_16 = arith.constant 1.000000e+00 : f32
    %logistic3A_17 = vector.broadcast %logistic3A_16 : f32 to vector<10000x1xf32>
    %logistic3A_18 = arith.addf %logistic3A_17, %logistic3A_15 : vector<10000x1xf32>
    %logistic3A_19 = arith.divf %logistic3A_17, %logistic3A_18 : vector<10000x1xf32>
    %mul3A_20 = vector.broadcast %logistic3A_19 : vector<10000x1xf32> to vector<10000x16xf32>
    %mul3A_21 = arith.mulf %mul3A_20, %dot_general3A_5 : vector<10000x16xf32>
    %gt3A_22 = arith.constant 0.000000e+00 : f32
    %gt3A_23 = vector.broadcast %gt3A_22 : f32 to vector<10000x16xf32>
    %gt3A_24 = arith.cmpf ogt, %mul3A_21, %gt3A_23 : vector<10000x16xf32>
    %min3A = arith.constant 0.000000e+00 : f32
    %min3A_25 = vector.broadcast %min3A : f32 to vector<10000x16xf32>
    %min3A_26 = arith.minimumf %mul3A_21, %min3A_25 : vector<10000x16xf32>
    %exp3A = math.exp %min3A_26 : vector<10000x16xf32>
    %sub3A = arith.constant 1.000000e+00 : f32
    %sub3A_27 = vector.broadcast %sub3A : f32 to vector<10000x16xf32>
    %sub3A_28 = arith.subf %exp3A, %sub3A_27 : vector<10000x16xf32>
    %select_n3A_29 = arith.select %gt3A_24, %mul3A_21, %sub3A_28 : vector<10000x16xi1>, vector<10000x16xf32>
    %swap3A = arith.constant 0 : index
    %swap3A_30 = arith.constant 0 : index
    %swap3A_31 = vector.load %arg3[%swap3A, %swap3A_30] : memref<10240x16xf32, #tpu.memory_space<vmem>>, vector<10000x16xf32>
    tpu.vector_store %arg3[%swap3A, %swap3A_30], %select_n3A_29 {strides = array<i32>} : memref<10240x16xf32, #tpu.memory_space<vmem>>, vector<10000x16xf32>,
    %broadcast_in_dim3A = arith.constant 0.000000e+00 : f32
    %broadcast_in_dim3A_32 = vector.broadcast %broadcast_in_dim3A : f32 to vector<240x16xf32>
    %swap3A_33 = arith.constant 10000 : index
    %swap3A_34 = arith.constant 0 : index
    %swap3A_35 = vector.load %arg3[%swap3A_33, %swap3A_34] : memref<10240x16xf32, #tpu.memory_space<vmem>>, vector<240x16xf32>
    tpu.vector_store %arg3[%swap3A_33, %swap3A_34], %broadcast_in_dim3A_32 {strides = array<i32>} : memref<10240x16xf32, #tpu.memory_space<vmem>>, vector<240x16xf32>,
    return
  }
}

module attributes {stable_mosaic.version = 14 : i64} {
  func.func @_gh_body(%arg0: memref<10240x16xf32, #tpu.memory_space<vmem>>, %arg1: memref<16x192xf32, #tpu.memory_space<vmem>>, %arg2: memref<1x192xf32, #tpu.memory_space<vmem>>, %arg3: memref<10240x192xf32, #tpu.memory_space<vmem>>) attributes {dimension_semantics = [], scalar_prefetch = 0 : i64, scratch_operands = 0 : i64, tpu.core_type = #tpu.core_type<tc>} {
    %get3A = arith.constant 0 : index
    %get3A_0 = arith.constant 0 : index
    %get3A_1 = vector.load %arg0[%get3A, %get3A_0] : memref<10240x16xf32, #tpu.memory_space<vmem>>, vector<10240x16xf32>
    %get3A_2 = arith.constant 0 : index
    %get3A_3 = arith.constant 0 : index
    %get3A_4 = vector.load %arg1[%get3A_2, %get3A_3] : memref<16x192xf32, #tpu.memory_space<vmem>>, vector<16x192xf32>
    %dot_general3A = arith.constant dense<0.000000e+00> : vector<10240x192xf32>
    %dot_general3A_5 = tpu.matmul %get3A_1, %get3A_4, %dot_general3A {dimension_numbers = #tpu.dot_dimension_numbers<[1], [0], [0], [1], [0, 0, 1, 1], [], []>, transpose_lhs_hint = false} : vector<10240x16xf32>, vector<16x192xf32>, vector<10240x192xf32> -> vector<10240x192xf32>
    %get3A_6 = arith.constant 0 : index
    %get3A_7 = arith.constant 0 : index
    %get3A_8 = vector.load %arg2[%get3A_6, %get3A_7] : memref<1x192xf32, #tpu.memory_space<vmem>>, vector<1x192xf32>
    %add3A = vector.broadcast %get3A_8 : vector<1x192xf32> to vector<10240x192xf32>
    %add3A_9 = arith.addf %dot_general3A_5, %add3A : vector<10240x192xf32>
    %swap3A = arith.constant 0 : index
    %swap3A_10 = arith.constant 0 : index
    %swap3A_11 = vector.load %arg3[%swap3A, %swap3A_10] : memref<10240x192xf32, #tpu.memory_space<vmem>>, vector<10240x192xf32>
    tpu.vector_store %arg3[%swap3A, %swap3A_10], %add3A_9 {strides = array<i32>} : memref<10240x192xf32, #tpu.memory_space<vmem>>, vector<10240x192xf32>,
    return
  }
}

module attributes {stable_mosaic.version = 14 : i64} {
  func.func @_gru_mid_body(%arg0: i32, %arg1: memref<2x2048x128xf32, #tpu.memory_space<vmem>>, %arg2: memref<2048x16xf32, #tpu.memory_space<vmem>>, %arg3: memref<2048x192xf32, #tpu.memory_space<vmem>>, %arg4: memref<16x64xf32, #tpu.memory_space<vmem>>, %arg5: memref<64x192xf32, #tpu.memory_space<vmem>>, %arg6: memref<1x192xf32, #tpu.memory_space<vmem>>, %arg7: memref<64x64xf32, #tpu.memory_space<vmem>>, %arg8: memref<2048x64xf32, #tpu.memory_space<vmem>>, %arg9: memref<2048x64xf32, #tpu.memory_space<vmem>>) attributes {dimension_semantics = [#tpu.dimension_semantics<arbitrary>], iteration_bounds = array<i64: 5>, scalar_prefetch = 0 : i64, scratch_operands = 0 : i64, tpu.core_type = #tpu.core_type<tc>, window_params = [{transform_indices = @transform_0, window_bounds = array<i64: 2, 2048, 128>}, {transform_indices = @transform_1, window_bounds = array<i64: 2048, 16>}, {transform_indices = @transform_2, window_bounds = array<i64: 2048, 192>}, {pipeline_mode = #tpu.pipeline_mode<synchronous>, transform_indices = @transform_3, window_bounds = array<i64: 16, 64>}, {pipeline_mode = #tpu.pipeline_mode<synchronous>, transform_indices = @transform_4, window_bounds = array<i64: 64, 192>}, {pipeline_mode = #tpu.pipeline_mode<synchronous>, transform_indices = @transform_5, window_bounds = array<i64: 1, 192>}, {pipeline_mode = #tpu.pipeline_mode<synchronous>, transform_indices = @transform_6, window_bounds = array<i64: 64, 64>}, {transform_indices = @transform_7, window_bounds = array<i64: 2048, 64>}, {transform_indices = @transform_8, window_bounds = array<i64: 2048, 64>}]} {
    %get3A = arith.constant 0 : index
    %get3A_0 = arith.constant 0 : index
    %get3A_1 = arith.constant 0 : index
    %get3A_2 = vector.load %arg1[%get3A, %get3A_0, %get3A_1] : memref<2x2048x128xf32, #tpu.memory_space<vmem>>, vector<1x2048x16xf32>
    %get3A_3 = vector.shape_cast %get3A_2 : vector<1x2048x16xf32> to vector<2048x16xf32>
    %get3A_4 = arith.constant 1 : index
    %get3A_5 = arith.constant 0 : index
    %get3A_6 = arith.constant 0 : index
    %get3A_7 = vector.load %arg1[%get3A_4, %get3A_5, %get3A_6] : memref<2x2048x128xf32, #tpu.memory_space<vmem>>, vector<1x2048x16xf32>
    %get3A_8 = vector.shape_cast %get3A_7 : vector<1x2048x16xf32> to vector<2048x16xf32>
    %add3A = arith.addf %get3A_3, %get3A_8 : vector<2048x16xf32>
    %get3A_9 = arith.constant 0 : index
    %get3A_10 = arith.constant 0 : index
    %get3A_11 = vector.load %arg4[%get3A_9, %get3A_10] : memref<16x64xf32, #tpu.memory_space<vmem>>, vector<16x64xf32>
    %get3A_12 = arith.constant 0 : index
    %get3A_13 = arith.constant 0 : index
    %get3A_14 = vector.load %arg5[%get3A_12, %get3A_13] : memref<64x192xf32, #tpu.memory_space<vmem>>, vector<64x192xf32>
    %dot_general3A = arith.constant dense<0.000000e+00> : vector<16x192xf32>
    %dot_general3A_15 = tpu.matmul %get3A_11, %get3A_14, %dot_general3A {dimension_numbers = #tpu.dot_dimension_numbers<[1], [0], [0], [1], [0, 0, 1, 1], [], []>, transpose_lhs_hint = false} : vector<16x64xf32>, vector<64x192xf32>, vector<16x192xf32> -> vector<16x192xf32>
    %dot_general3A_16 = arith.constant dense<0.000000e+00> : vector<2048x192xf32>
    %dot_general3A_17 = tpu.matmul %add3A, %dot_general3A_15, %dot_general3A_16 {dimension_numbers = #tpu.dot_dimension_numbers<[1], [0], [0], [1], [0, 0, 1, 1], [], []>, transpose_lhs_hint = false} : vector<2048x16xf32>, vector<16x192xf32>, vector<2048x192xf32> -> vector<2048x192xf32>
    %get3A_18 = arith.constant 0 : index
    %get3A_19 = arith.constant 0 : index
    %get3A_20 = vector.load %arg6[%get3A_18, %get3A_19] : memref<1x192xf32, #tpu.memory_space<vmem>>, vector<1x192xf32>
    %add3A_21 = vector.broadcast %get3A_20 : vector<1x192xf32> to vector<2048x192xf32>
    %add3A_22 = arith.addf %dot_general3A_17, %add3A_21 : vector<2048x192xf32>
    %get3A_23 = arith.constant 0 : index
    %get3A_24 = arith.constant 0 : index
    %get3A_25 = vector.load %arg2[%get3A_23, %get3A_24] : memref<2048x16xf32, #tpu.memory_space<vmem>>, vector<2048x16xf32>
    %broadcast_in_dim3A = arith.constant 0.000000e+00 : f32
    %broadcast_in_dim3A_26 = vector.broadcast %broadcast_in_dim3A : f32 to vector<2048x48xf32>
    %concatenate3A = tpu.concatenate %get3A_25, %broadcast_in_dim3A_26 in 1 : vector<2048x16xf32>, vector<2048x48xf32> -> vector<2048x64xf32>
    %get3A_27 = arith.constant 0 : index
    %get3A_28 = arith.constant 0 : index
    %get3A_29 = vector.load %arg3[%get3A_27, %get3A_28] : memref<2048x192xf32, #tpu.memory_space<vmem>>, vector<2048x192xf32>
    %slice3A = vector.extract_strided_slice %add3A_22 {offsets = [0, 0], sizes = [2048, 64], strides = [1, 1]} : vector<2048x192xf32> to vector<2048x64xf32>
    %slice3A_30 = vector.extract_strided_slice %get3A_29 {offsets = [0, 0], sizes = [2048, 64], strides = [1, 1]} : vector<2048x192xf32> to vector<2048x64xf32>
    %add3A_31 = arith.addf %slice3A, %slice3A_30 : vector<2048x64xf32>
    %logistic3A = arith.negf %add3A_31 : vector<2048x64xf32>
    %logistic3A_32 = math.exp %logistic3A : vector<2048x64xf32>
    %logistic3A_33 = arith.constant 1.000000e+00 : f32
    %logistic3A_34 = vector.broadcast %logistic3A_33 : f32 to vector<2048x64xf32>
    %logistic3A_35 = arith.addf %logistic3A_34, %logistic3A_32 : vector<2048x64xf32>
    %logistic3A_36 = arith.divf %logistic3A_34, %logistic3A_35 : vector<2048x64xf32>
    %slice3A_37 = vector.extract_strided_slice %add3A_22 {offsets = [0, 64], sizes = [2048, 64], strides = [1, 1]} : vector<2048x192xf32> to vector<2048x64xf32>
    %slice3A_38 = vector.extract_strided_slice %get3A_29 {offsets = [0, 64], sizes = [2048, 64], strides = [1, 1]} : vector<2048x192xf32> to vector<2048x64xf32>
    %add3A_39 = arith.addf %slice3A_37, %slice3A_38 : vector<2048x64xf32>
    %logistic3A_40 = arith.negf %add3A_39 : vector<2048x64xf32>
    %logistic3A_41 = math.exp %logistic3A_40 : vector<2048x64xf32>
    %logistic3A_42 = arith.constant 1.000000e+00 : f32
    %logistic3A_43 = vector.broadcast %logistic3A_42 : f32 to vector<2048x64xf32>
    %logistic3A_44 = arith.addf %logistic3A_43, %logistic3A_41 : vector<2048x64xf32>
    %logistic3A_45 = arith.divf %logistic3A_43, %logistic3A_44 : vector<2048x64xf32>
    %slice3A_46 = vector.extract_strided_slice %add3A_22 {offsets = [0, 128], sizes = [2048, 64], strides = [1, 1]} : vector<2048x192xf32> to vector<2048x64xf32>
    %slice3A_47 = vector.extract_strided_slice %get3A_29 {offsets = [0, 128], sizes = [2048, 64], strides = [1, 1]} : vector<2048x192xf32> to vector<2048x64xf32>
    %mul3A = arith.mulf %logistic3A_36, %slice3A_47 : vector<2048x64xf32>
    %add3A_48 = arith.addf %slice3A_46, %mul3A : vector<2048x64xf32>
    %tanh3A = math.tanh %add3A_48 : vector<2048x64xf32>
    %sub3A = arith.constant 1.000000e+00 : f32
    %sub3A_49 = vector.broadcast %sub3A : f32 to vector<2048x64xf32>
    %sub3A_50 = arith.subf %sub3A_49, %logistic3A_45 : vector<2048x64xf32>
    %mul3A_51 = arith.mulf %sub3A_50, %tanh3A : vector<2048x64xf32>
    %mul3A_52 = arith.mulf %logistic3A_45, %concatenate3A : vector<2048x64xf32>
    %add3A_53 = arith.addf %mul3A_51, %mul3A_52 : vector<2048x64xf32>
    %swap3A = arith.constant 0 : index
    %swap3A_54 = arith.constant 0 : index
    %swap3A_55 = vector.load %arg8[%swap3A, %swap3A_54] : memref<2048x64xf32, #tpu.memory_space<vmem>>, vector<2048x64xf32>
    tpu.vector_store %arg8[%swap3A, %swap3A_54], %add3A_53 {strides = array<i32>} : memref<2048x64xf32, #tpu.memory_space<vmem>>, vector<2048x64xf32>,
    %get3A_56 = arith.constant 0 : index
    %get3A_57 = arith.constant 0 : index
    %get3A_58 = vector.load %arg7[%get3A_56, %get3A_57] : memref<64x64xf32, #tpu.memory_space<vmem>>, vector<64x64xf32>
    %dot_general3A_59 = arith.constant dense<0.000000e+00> : vector<2048x64xf32>
    %dot_general3A_60 = tpu.matmul %add3A_53, %get3A_58, %dot_general3A_59 {dimension_numbers = #tpu.dot_dimension_numbers<[1], [0], [0], [1], [0, 0, 1, 1], [], []>, transpose_lhs_hint = false} : vector<2048x64xf32>, vector<64x64xf32>, vector<2048x64xf32> -> vector<2048x64xf32>
    %swap3A_61 = arith.constant 0 : index
    %swap3A_62 = arith.constant 0 : index
    %swap3A_63 = vector.load %arg9[%swap3A_61, %swap3A_62] : memref<2048x64xf32, #tpu.memory_space<vmem>>, vector<2048x64xf32>
    tpu.vector_store %arg9[%swap3A_61, %swap3A_62], %dot_general3A_60 {strides = array<i32>} : memref<2048x64xf32, #tpu.memory_space<vmem>>, vector<2048x64xf32>,
    return
  }
  func.func @transform_0(%arg0: i32) -> (i32, i32, i32) {
    %c0_i32 = arith.constant 0 : i32
    %c0_i32_0 = arith.constant 0 : i32
    %c0_i32_1 = arith.constant 0 : i32
    return %c0_i32, %arg0, %c0_i32_0 : i32, i32, i32
  }
  func.func @transform_1(%arg0: i32) -> (i32, i32) {
    %c0_i32 = arith.constant 0 : i32
    %c0_i32_0 = arith.constant 0 : i32
    return %arg0, %c0_i32 : i32, i32
  }
  func.func @transform_2(%arg0: i32) -> (i32, i32) {
    %c0_i32 = arith.constant 0 : i32
    %c0_i32_0 = arith.constant 0 : i32
    return %arg0, %c0_i32 : i32, i32
  }
  func.func @transform_3(%arg0: i32) -> (i32, i32) {
    %c0_i32 = arith.constant 0 : i32
    %c0_i32_0 = arith.constant 0 : i32
    %c0_i32_1 = arith.constant 0 : i32
    return %c0_i32, %c0_i32_0 : i32, i32
  }
  func.func @transform_4(%arg0: i32) -> (i32, i32) {
    %c0_i32 = arith.constant 0 : i32
    %c0_i32_0 = arith.constant 0 : i32
    %c0_i32_1 = arith.constant 0 : i32
    return %c0_i32, %c0_i32_0 : i32, i32
  }
  func.func @transform_5(%arg0: i32) -> (i32, i32) {
    %c0_i32 = arith.constant 0 : i32
    %c0_i32_0 = arith.constant 0 : i32
    %c0_i32_1 = arith.constant 0 : i32
    return %c0_i32, %c0_i32_0 : i32, i32
  }
  func.func @transform_6(%arg0: i32) -> (i32, i32) {
    %c0_i32 = arith.constant 0 : i32
    %c0_i32_0 = arith.constant 0 : i32
    %c0_i32_1 = arith.constant 0 : i32
    return %c0_i32, %c0_i32_0 : i32, i32
  }
  func.func @transform_7(%arg0: i32) -> (i32, i32) {
    %c0_i32 = arith.constant 0 : i32
    %c0_i32_0 = arith.constant 0 : i32
    return %arg0, %c0_i32 : i32, i32
  }
  func.func @transform_8(%arg0: i32) -> (i32, i32) {
    %c0_i32 = arith.constant 0 : i32
    %c0_i32_0 = arith.constant 0 : i32
    return %arg0, %c0_i32 : i32, i32
  }
}

module attributes {stable_mosaic.version = 14 : i64} {
  func.func @_gh_body(%arg0: memref<10240x64xf32, #tpu.memory_space<vmem>>, %arg1: memref<64x192xf32, #tpu.memory_space<vmem>>, %arg2: memref<1x192xf32, #tpu.memory_space<vmem>>, %arg3: memref<10240x192xf32, #tpu.memory_space<vmem>>) attributes {dimension_semantics = [], scalar_prefetch = 0 : i64, scratch_operands = 0 : i64, tpu.core_type = #tpu.core_type<tc>} {
    %get3A = arith.constant 0 : index
    %get3A_0 = arith.constant 0 : index
    %get3A_1 = vector.load %arg0[%get3A, %get3A_0] : memref<10240x64xf32, #tpu.memory_space<vmem>>, vector<10240x64xf32>
    %get3A_2 = arith.constant 0 : index
    %get3A_3 = arith.constant 0 : index
    %get3A_4 = vector.load %arg1[%get3A_2, %get3A_3] : memref<64x192xf32, #tpu.memory_space<vmem>>, vector<64x192xf32>
    %dot_general3A = arith.constant dense<0.000000e+00> : vector<10240x192xf32>
    %dot_general3A_5 = tpu.matmul %get3A_1, %get3A_4, %dot_general3A {dimension_numbers = #tpu.dot_dimension_numbers<[1], [0], [0], [1], [0, 0, 1, 1], [], []>, transpose_lhs_hint = false} : vector<10240x64xf32>, vector<64x192xf32>, vector<10240x192xf32> -> vector<10240x192xf32>
    %get3A_6 = arith.constant 0 : index
    %get3A_7 = arith.constant 0 : index
    %get3A_8 = vector.load %arg2[%get3A_6, %get3A_7] : memref<1x192xf32, #tpu.memory_space<vmem>>, vector<1x192xf32>
    %add3A = vector.broadcast %get3A_8 : vector<1x192xf32> to vector<10240x192xf32>
    %add3A_9 = arith.addf %dot_general3A_5, %add3A : vector<10240x192xf32>
    %swap3A = arith.constant 0 : index
    %swap3A_10 = arith.constant 0 : index
    %swap3A_11 = vector.load %arg3[%swap3A, %swap3A_10] : memref<10240x192xf32, #tpu.memory_space<vmem>>, vector<10240x192xf32>
    tpu.vector_store %arg3[%swap3A, %swap3A_10], %add3A_9 {strides = array<i32>} : memref<10240x192xf32, #tpu.memory_space<vmem>>, vector<10240x192xf32>,
    return
  }
}

module attributes {stable_mosaic.version = 14 : i64} {
  func.func @_gru_fin_body(%arg0: i32, %arg1: memref<2x2048x128xf32, #tpu.memory_space<vmem>>, %arg2: memref<2048x64xf32, #tpu.memory_space<vmem>>, %arg3: memref<2048x192xf32, #tpu.memory_space<vmem>>, %arg4: memref<64x192xf32, #tpu.memory_space<vmem>>, %arg5: memref<1x192xf32, #tpu.memory_space<vmem>>, %arg6: memref<64x2xf32, #tpu.memory_space<vmem>>, %arg7: memref<1x2xf32, #tpu.memory_space<vmem>>, %arg8: memref<1x2xf32, #tpu.memory_space<vmem>>) attributes {dimension_semantics = [#tpu.dimension_semantics<arbitrary>], iteration_bounds = array<i64: 5>, scalar_prefetch = 0 : i64, scratch_operands = 0 : i64, tpu.core_type = #tpu.core_type<tc>, window_params = [{transform_indices = @transform_0, window_bounds = array<i64: 2, 2048, 128>}, {transform_indices = @transform_1, window_bounds = array<i64: 2048, 64>}, {transform_indices = @transform_2, window_bounds = array<i64: 2048, 192>}, {pipeline_mode = #tpu.pipeline_mode<synchronous>, transform_indices = @transform_3, window_bounds = array<i64: 64, 192>}, {pipeline_mode = #tpu.pipeline_mode<synchronous>, transform_indices = @transform_4, window_bounds = array<i64: 1, 192>}, {pipeline_mode = #tpu.pipeline_mode<synchronous>, transform_indices = @transform_5, window_bounds = array<i64: 64, 2>}, {pipeline_mode = #tpu.pipeline_mode<synchronous>, transform_indices = @transform_6, window_bounds = array<i64: 1, 2>}, {pipeline_mode = #tpu.pipeline_mode<synchronous>, transform_indices = @transform_7, window_bounds = array<i64: 1, 2>}]} {
    %get3A = arith.constant 0 : index
    %get3A_0 = arith.constant 0 : index
    %get3A_1 = arith.constant 0 : index
    %get3A_2 = vector.load %arg1[%get3A, %get3A_0, %get3A_1] : memref<2x2048x128xf32, #tpu.memory_space<vmem>>, vector<1x2048x64xf32>
    %get3A_3 = vector.shape_cast %get3A_2 : vector<1x2048x64xf32> to vector<2048x64xf32>
    %get3A_4 = arith.constant 1 : index
    %get3A_5 = arith.constant 0 : index
    %get3A_6 = arith.constant 0 : index
    %get3A_7 = vector.load %arg1[%get3A_4, %get3A_5, %get3A_6] : memref<2x2048x128xf32, #tpu.memory_space<vmem>>, vector<1x2048x64xf32>
    %get3A_8 = vector.shape_cast %get3A_7 : vector<1x2048x64xf32> to vector<2048x64xf32>
    %add3A = arith.addf %get3A_3, %get3A_8 : vector<2048x64xf32>
    %get3A_9 = arith.constant 0 : index
    %get3A_10 = arith.constant 0 : index
    %get3A_11 = vector.load %arg4[%get3A_9, %get3A_10] : memref<64x192xf32, #tpu.memory_space<vmem>>, vector<64x192xf32>
    %dot_general3A = arith.constant dense<0.000000e+00> : vector<2048x192xf32>
    %dot_general3A_12 = tpu.matmul %add3A, %get3A_11, %dot_general3A {dimension_numbers = #tpu.dot_dimension_numbers<[1], [0], [0], [1], [0, 0, 1, 1], [], []>, transpose_lhs_hint = false} : vector<2048x64xf32>, vector<64x192xf32>, vector<2048x192xf32> -> vector<2048x192xf32>
    %get3A_13 = arith.constant 0 : index
    %get3A_14 = arith.constant 0 : index
    %get3A_15 = vector.load %arg5[%get3A_13, %get3A_14] : memref<1x192xf32, #tpu.memory_space<vmem>>, vector<1x192xf32>
    %add3A_16 = vector.broadcast %get3A_15 : vector<1x192xf32> to vector<2048x192xf32>
    %add3A_17 = arith.addf %dot_general3A_12, %add3A_16 : vector<2048x192xf32>
    %get3A_18 = arith.constant 0 : index
    %get3A_19 = arith.constant 0 : index
    %get3A_20 = vector.load %arg3[%get3A_18, %get3A_19] : memref<2048x192xf32, #tpu.memory_space<vmem>>, vector<2048x192xf32>
    %get3A_21 = arith.constant 0 : index
    %get3A_22 = arith.constant 0 : index
    %get3A_23 = vector.load %arg2[%get3A_21, %get3A_22] : memref<2048x64xf32, #tpu.memory_space<vmem>>, vector<2048x64xf32>
    %slice3A = vector.extract_strided_slice %add3A_17 {offsets = [0, 0], sizes = [2048, 64], strides = [1, 1]} : vector<2048x192xf32> to vector<2048x64xf32>
    %slice3A_24 = vector.extract_strided_slice %get3A_20 {offsets = [0, 0], sizes = [2048, 64], strides = [1, 1]} : vector<2048x192xf32> to vector<2048x64xf32>
    %add3A_25 = arith.addf %slice3A, %slice3A_24 : vector<2048x64xf32>
    %logistic3A = arith.negf %add3A_25 : vector<2048x64xf32>
    %logistic3A_26 = math.exp %logistic3A : vector<2048x64xf32>
    %logistic3A_27 = arith.constant 1.000000e+00 : f32
    %logistic3A_28 = vector.broadcast %logistic3A_27 : f32 to vector<2048x64xf32>
    %logistic3A_29 = arith.addf %logistic3A_28, %logistic3A_26 : vector<2048x64xf32>
    %logistic3A_30 = arith.divf %logistic3A_28, %logistic3A_29 : vector<2048x64xf32>
    %slice3A_31 = vector.extract_strided_slice %add3A_17 {offsets = [0, 64], sizes = [2048, 64], strides = [1, 1]} : vector<2048x192xf32> to vector<2048x64xf32>
    %slice3A_32 = vector.extract_strided_slice %get3A_20 {offsets = [0, 64], sizes = [2048, 64], strides = [1, 1]} : vector<2048x192xf32> to vector<2048x64xf32>
    %add3A_33 = arith.addf %slice3A_31, %slice3A_32 : vector<2048x64xf32>
    %logistic3A_34 = arith.negf %add3A_33 : vector<2048x64xf32>
    %logistic3A_35 = math.exp %logistic3A_34 : vector<2048x64xf32>
    %logistic3A_36 = arith.constant 1.000000e+00 : f32
    %logistic3A_37 = vector.broadcast %logistic3A_36 : f32 to vector<2048x64xf32>
    %logistic3A_38 = arith.addf %logistic3A_37, %logistic3A_35 : vector<2048x64xf32>
    %logistic3A_39 = arith.divf %logistic3A_37, %logistic3A_38 : vector<2048x64xf32>
    %slice3A_40 = vector.extract_strided_slice %add3A_17 {offsets = [0, 128], sizes = [2048, 64], strides = [1, 1]} : vector<2048x192xf32> to vector<2048x64xf32>
    %slice3A_41 = vector.extract_strided_slice %get3A_20 {offsets = [0, 128], sizes = [2048, 64], strides = [1, 1]} : vector<2048x192xf32> to vector<2048x64xf32>
    %mul3A = arith.mulf %logistic3A_30, %slice3A_41 : vector<2048x64xf32>
    %add3A_42 = arith.addf %slice3A_40, %mul3A : vector<2048x64xf32>
    %tanh3A = math.tanh %add3A_42 : vector<2048x64xf32>
    %sub3A = arith.constant 1.000000e+00 : f32
    %sub3A_43 = vector.broadcast %sub3A : f32 to vector<2048x64xf32>
    %sub3A_44 = arith.subf %sub3A_43, %logistic3A_39 : vector<2048x64xf32>
    %mul3A_45 = arith.mulf %sub3A_44, %tanh3A : vector<2048x64xf32>
    %mul3A_46 = arith.mulf %logistic3A_39, %get3A_23 : vector<2048x64xf32>
    %add3A_47 = arith.addf %mul3A_45, %mul3A_46 : vector<2048x64xf32>
    %get3A_48 = arith.constant 0 : index
    %get3A_49 = arith.constant 0 : index
    %get3A_50 = vector.load %arg6[%get3A_48, %get3A_49] : memref<64x2xf32, #tpu.memory_space<vmem>>, vector<64x2xf32>
    %dot_general3A_51 = arith.constant dense<0.000000e+00> : vector<2048x2xf32>
    %dot_general3A_52 = tpu.matmul %add3A_47, %get3A_50, %dot_general3A_51 {dimension_numbers = #tpu.dot_dimension_numbers<[1], [0], [0], [1], [0, 0, 1, 1], [], []>, transpose_lhs_hint = false} : vector<2048x64xf32>, vector<64x2xf32>, vector<2048x2xf32> -> vector<2048x2xf32>
    %get3A_53 = arith.constant 0 : index
    %get3A_54 = arith.constant 0 : index
    %get3A_55 = vector.load %arg7[%get3A_53, %get3A_54] : memref<1x2xf32, #tpu.memory_space<vmem>>, vector<1x2xf32>
    %add3A_56 = vector.broadcast %get3A_55 : vector<1x2xf32> to vector<2048x2xf32>
    %add3A_57 = arith.addf %dot_general3A_52, %add3A_56 : vector<2048x2xf32>
    %iota3A = tpu.iota {dimensions = array<i32: 0>} : vector<2048x2xi32>
    %mul3A_58 = arith.constant 2048 : i32
    %mul3A_59 = arith.muli %arg0, %mul3A_58 : i32
    %add3A_60 = vector.broadcast %mul3A_59 : i32 to vector<2048x2xi32>
    %add3A_61 = arith.addi %iota3A, %add3A_60 : vector<2048x2xi32>
    %lt3A = arith.constant 10000 : i32
    %lt3A_62 = vector.broadcast %lt3A : i32 to vector<2048x2xi32>
    %lt3A_63 = arith.cmpi slt, %add3A_61, %lt3A_62 : vector<2048x2xi32>
    %jit3A = arith.constant 0.000000e+00 : f32
    %broadcast_in_dim3A = vector.broadcast %jit3A : f32 to vector<2048x2xf32>
    %select_n3A = arith.select %lt3A_63, %add3A_57, %broadcast_in_dim3A : vector<2048x2xi1>, vector<2048x2xf32>
    %reduce_sum3A = arith.constant dense<0.000000e+00> : vector<2xf32>
    %reduce_sum3A_64 = vector.multi_reduction <add>, %select_n3A, %reduce_sum3A [0] : vector<2048x2xf32> to vector<2xf32>
    %broadcast_in_dim3A_65 = vector.shape_cast %reduce_sum3A_64 : vector<2xf32> to vector<1x2xf32>
    %eq3A = arith.constant 0 : i32
    %eq3A_66 = arith.cmpi eq, %arg0, %eq3A : i32
    %convert_element_type3A = arith.extui %eq3A_66 : i1 to i32
    %cond3A = arith.constant 0 : i32
    %cond3A_67 = arith.cmpi ne, %convert_element_type3A, %cond3A : i32
    scf.if %cond3A_67 {
      %swap3A = arith.constant 0 : index
      %swap3A_77 = arith.constant 0 : index
      %swap3A_78 = vector.load %arg8[%swap3A, %swap3A_77] : memref<1x2xf32, #tpu.memory_space<vmem>>, vector<1x2xf32>
      tpu.vector_store %arg8[%swap3A, %swap3A_77], %broadcast_in_dim3A_65 {strides = array<i32>} : memref<1x2xf32, #tpu.memory_space<vmem>>, vector<1x2xf32>,
    } else {
    }
    %gt3A = arith.constant 0 : i32
    %gt3A_68 = arith.cmpi sgt, %arg0, %gt3A : i32
    %convert_element_type3A_69 = arith.extui %gt3A_68 : i1 to i32
    %cond3A_70 = arith.constant 0 : i32
    %cond3A_71 = arith.cmpi ne, %convert_element_type3A_69, %cond3A_70 : i32
    scf.if %cond3A_71 {
      %get3A_77 = arith.constant 0 : index
      %get3A_78 = arith.constant 0 : index
      %get3A_79 = vector.load %arg8[%get3A_77, %get3A_78] : memref<1x2xf32, #tpu.memory_space<vmem>>, vector<1x2xf32>
      %add3A_80 = arith.addf %get3A_79, %broadcast_in_dim3A_65 : vector<1x2xf32>
      %swap3A = arith.constant 0 : index
      %swap3A_81 = arith.constant 0 : index
      %swap3A_82 = vector.load %arg8[%swap3A, %swap3A_81] : memref<1x2xf32, #tpu.memory_space<vmem>>, vector<1x2xf32>
      tpu.vector_store %arg8[%swap3A, %swap3A_81], %add3A_80 {strides = array<i32>} : memref<1x2xf32, #tpu.memory_space<vmem>>, vector<1x2xf32>,
    } else {
    }
    %eq3A_72 = arith.constant 4 : i32
    %eq3A_73 = arith.cmpi eq, %arg0, %eq3A_72 : i32
    %convert_element_type3A_74 = arith.extui %eq3A_73 : i1 to i32
    %cond3A_75 = arith.constant 0 : i32
    %cond3A_76 = arith.cmpi ne, %convert_element_type3A_74, %cond3A_75 : i32
    scf.if %cond3A_76 {
      %get3A_77 = arith.constant 0 : index
      %get3A_78 = arith.constant 0 : index
      %get3A_79 = vector.load %arg8[%get3A_77, %get3A_78] : memref<1x2xf32, #tpu.memory_space<vmem>>, vector<1x2xf32>
      %reduce_max3A = arith.constant dense<0xFF800000> : vector<1xf32>
      %reduce_max3A_80 = vector.multi_reduction <maximumf>, %get3A_79, %reduce_max3A [1] : vector<1x2xf32> to vector<1xf32>
      %max3A = arith.constant 0xFF800000 : f32
      %max3A_81 = vector.broadcast %max3A : f32 to vector<1xf32>
      %max3A_82 = arith.maximumf %max3A_81, %reduce_max3A_80 : vector<1xf32>
      %broadcast_in_dim3A_83 = vector.shape_cast %max3A_82 : vector<1xf32> to vector<1x1xf32>
      %sub3A_84 = vector.broadcast %broadcast_in_dim3A_83 : vector<1x1xf32> to vector<1x2xf32>
      %sub3A_85 = arith.subf %get3A_79, %sub3A_84 : vector<1x2xf32>
      %exp3A = math.exp %sub3A_85 : vector<1x2xf32>
      %reduce_sum3A_86 = arith.constant dense<0.000000e+00> : vector<1xf32>
      %reduce_sum3A_87 = vector.multi_reduction <add>, %exp3A, %reduce_sum3A_86 [1] : vector<1x2xf32> to vector<1xf32>
      %broadcast_in_dim3A_88 = vector.shape_cast %reduce_sum3A_87 : vector<1xf32> to vector<1x1xf32>
      %div3A = vector.broadcast %broadcast_in_dim3A_88 : vector<1x1xf32> to vector<1x2xf32>
      %div3A_89 = arith.divf %exp3A, %div3A : vector<1x2xf32>
      %swap3A = arith.constant 0 : index
      %swap3A_90 = arith.constant 0 : index
      %swap3A_91 = vector.load %arg8[%swap3A, %swap3A_90] : memref<1x2xf32, #tpu.memory_space<vmem>>, vector<1x2xf32>
      tpu.vector_store %arg8[%swap3A, %swap3A_90], %div3A_89 {strides = array<i32>} : memref<1x2xf32, #tpu.memory_space<vmem>>, vector<1x2xf32>,
    } else {
    }
    return
  }
  func.func @transform_0(%arg0: i32) -> (i32, i32, i32) {
    %c0_i32 = arith.constant 0 : i32
    %c0_i32_0 = arith.constant 0 : i32
    %c0_i32_1 = arith.constant 0 : i32
    return %c0_i32, %arg0, %c0_i32_0 : i32, i32, i32
  }
  func.func @transform_1(%arg0: i32) -> (i32, i32) {
    %c0_i32 = arith.constant 0 : i32
    %c0_i32_0 = arith.constant 0 : i32
    return %arg0, %c0_i32 : i32, i32
  }
  func.func @transform_2(%arg0: i32) -> (i32, i32) {
    %c0_i32 = arith.constant 0 : i32
    %c0_i32_0 = arith.constant 0 : i32
    return %arg0, %c0_i32 : i32, i32
  }
  func.func @transform_3(%arg0: i32) -> (i32, i32) {
    %c0_i32 = arith.constant 0 : i32
    %c0_i32_0 = arith.constant 0 : i32
    %c0_i32_1 = arith.constant 0 : i32
    return %c0_i32, %c0_i32_0 : i32, i32
  }
  func.func @transform_4(%arg0: i32) -> (i32, i32) {
    %c0_i32 = arith.constant 0 : i32
    %c0_i32_0 = arith.constant 0 : i32
    %c0_i32_1 = arith.constant 0 : i32
    return %c0_i32, %c0_i32_0 : i32, i32
  }
  func.func @transform_5(%arg0: i32) -> (i32, i32) {
    %c0_i32 = arith.constant 0 : i32
    %c0_i32_0 = arith.constant 0 : i32
    %c0_i32_1 = arith.constant 0 : i32
    return %c0_i32, %c0_i32_0 : i32, i32
  }
  func.func @transform_6(%arg0: i32) -> (i32, i32) {
    %c0_i32 = arith.constant 0 : i32
    %c0_i32_0 = arith.constant 0 : i32
    %c0_i32_1 = arith.constant 0 : i32
    return %c0_i32, %c0_i32_0 : i32, i32
  }
  func.func @transform_7(%arg0: i32) -> (i32, i32) {
    %c0_i32 = arith.constant 0 : i32
    %c0_i32_0 = arith.constant 0 : i32
    %c0_i32_1 = arith.constant 0 : i32
    return %c0_i32, %c0_i32_0 : i32, i32
  }
}

</mosaic_0001>

<sc_bundles>
// kernel: kernel.12.cloned.1.call-start
scs
__scs_entry_jumppad:
0x0: {  	(pc) =	sbr.rel $0x88, $3  }
0x1: {  	(tag) =	ssettag $0x0;
	lr =	simm.s32 $0x1  }
0x2: {  	[smem:$0x3F96] =	sst lr;
	_ =	strace $0xD0000000  }
0x3: {  	_ = 	snop  }
0x4: {  	_ = 	snop  }
0x5: {  	_ = 	snop  }
0x6: {  	_ = 	snop  }
0x7: {  	_ = 	snop  }
__scs_overlays_trampoline_lowered:
0x8: {  	[smem:$0x3FA5] =	sst s0  }
0x9: {  	[smem:$0x3FA6] =	sst s1  }
0xa: {  	[smem:$0x3FA7] =	sst s2  }
0xb: {  	[smem:$0x3FA8] =	sst s3  }
0xc: {  	[smem:$0x3FA9] =	sst s4  }
0xd: {  	[smem:$0x3FAA] =	sst s5  }
0xe: {  	[smem:$0x3FAB] =	sst s6  }
0xf: {  	[smem:$0x3FAC] =	sst s7  }
0x10: {  	[smem:$0x3FAD] =	sst s8  }
0x11: {  	[smem:$0x3FAE] =	sst s9;
	s0 =	simm.s32 @!p0 $0x0  }
0x12: {  	s1 =	sld [smem:$0x3F94];
	s0 =	simm.s32 @p0 $0x1  }
0x13: {  	[smem:$0x3FAF] =	sst s0;
	s0 =	simm.s32 @!p1 $0x0  }
0x14: {  	s2 =	sld [smem:$0x3F93];
	s0 =	simm.s32 @p1 $0x1  }
0x15: {  	[smem:$0x3FB0] =	sst s0;
	s0 =	simm.s32 @!p2 $0x0  }
0x16: {  	s3 =	sld [smem:$0x3FDB];
	s0 =	simm.s32 @p2 $0x1  }
0x17: {  	s4 =	simm.s32 $0x1BF5;
	[smem:$0x3FB2] =	sst s0  }
0x18: {  	s0 =	sld [smem:$0x3F95];
	_ =	swait.ge [sflag:s4], $0x0  }
0x19: {  	s7 =	sld [smem:$0x3F96]  }
0x1a: {  	s8 =	sadd.s32 $0xFFFFE003, lr  }
0x1b: {  	s9 =	sadd.s32 $0xFFFFFEF7, lr;
	s5 =	simm.s32 $0xFFFFFFFF;
	p2 =	slt.u32 s8, $0xFFFFF086  }
0x1c: {  	p1 =	slt.u32 s9, $0xF7A;
	s5 =	simm.s32 @!p2 $0x0  }
0x1d: {  	s5 =	simm.s32 @p1 $0x1;
	p0 =	seq.s32 s7, s2  }
0x1e: {  	s7 =	smul.u32 @!p0 $0xF7A, s2;
	p2 =	seq.s32 @!p0 s5, $0x0  }
0x1f: {  	s9 =	smul.u32 $0xF7A, s1;
	s8 =	simm.s32 @!p0 $0x1BF5;
	p2 =	por !p2, p0  }
0x20: {  	[sflag:s8] =	ssyncset.s32 @!p0 $0xFFFFF086;
	s6 =	sadd.s32 @!p0 s3, s7;
	s7 =	simm.s32 @!p0 $0x108  }
0x21: {  	s3 =	sadd.s32 s3, s9;
	s6 =	sadd.s32 @!p0 $0x88, s6;
	s7 =	simm.s32 @p2 $0x1082  }
0x22: {  	[simem:s7], [sflag:s8] =	dma.local @!p0 [hbm:s6], $0xF7A  }
0x23: {  	s9 =	sor.u32 $0xD0000000, s2;
	s6 =	simm.s32 $0x108;
	_ =	swait.ge @!p0 [sflag:s8], $0x0  }
0x24: {  	s3 =	sadd.s32 $0x88, s3;
	s6 =	simm.s32 @!p1 $0x1082;
	[sflag:s4] =	ssyncset.s32 $0xFFFFF086  }
0x25: {  	[simem:s6], [sflag:s4] =	dma.local [hbm:s3], $0xF7A  }
0x26: {  	[smem:$0x3F96] =	sst s1;
	(tag) =	ssettag s2;
	_ =	strace s9  }
0x27: {  	s1 =	sld [smem:$0x3FA6]  }
0x28: {  	s2 =	sld [smem:$0x3FA7]  }
0x29: {  	s4 =	sld [smem:$0x3FA9]  }
0x2a: {  	p0 =	seq.s32 s5, $0x0;
	s5 =	sld [smem:$0x3FAA]  }
0x2b: {  	s6 =	sld [smem:$0x3FAB]  }
0x2c: {  	s7 =	sld [smem:$0x3FAC]  }
0x2d: {  	s3 =	simm.s32 $0x108;
	s8 =	sld [smem:$0x3FAD]  }
0x2e: {  	s3 =	simm.s32 @!p0 $0x1082;
	s9 =	sld [smem:$0x3FAE]  }
0x2f: {  	lr =	sadd.s32 s0, s3;
	s0 =	sld [smem:$0x3FA5]  }
0x30: {  	s3 =	sld [smem:$0x3FA8]  }
0x31: {  	[smem:$0x3FB1] =	sst s10  }
0x32: {  	s10 =	sld [smem:$0x3FAF];
	_ =	sdelay $0x3  }
0x33: {  	p0 =	seq.s32 s10, $0x1;
	s10 =	sld [smem:$0x3FB1];
	_ =	sdelay $0x3  }
0x34: {  	[smem:$0x3FB1] =	sst s10  }
0x35: {  	s10 =	sld [smem:$0x3FB0];
	_ =	sdelay $0x3  }
0x36: {  	p1 =	seq.s32 s10, $0x1;
	s10 =	sld [smem:$0x3FB1];
	_ =	sdelay $0x3  }
0x37: {  	[smem:$0x3FB1] =	sst s10  }
0x38: {  	s10 =	sld [smem:$0x3FB2]  }
0x39: {  	_ = 	snop;
	(pc) =	sbr.ind lr, $3  }
0x3a: {  	_ = 	snop  }
0x3b: {  	_ = 	snop  }
0x3c: {  	p2 =	seq.s32 s10, $0x1;
	s10 =	sld [smem:$0x3FB1]  }
0x3d: {  	_ =	shalt  }
0x3e: {  	_ =	shalt  }
0x3f: {  	_ =	shalt  }
0x40: {  	_ =	shalt  }
0x41: {  	_ =	shalt  }
0x42: {  	_ =	shalt  }
0x43: {  	_ =	shalt  }
0x44: {  	_ =	shalt  }
0x45: {  	_ =	shalt  }
0x46: {  	_ =	shalt  }
0x47: {  	_ =	shalt  }
0x48: {  	_ =	shalt  }
0x49: {  	_ =	shalt  }
0x4a: {  	_ =	shalt  }
0x4b: {  	_ =	shalt  }
0x4c: {  	_ =	shalt  }
0x4d: {  	_ =	shalt  }
0x4e: {  	_ =	shalt  }
0x4f: {  	_ =	shalt  }
0x50: {  	_ =	shalt  }
0x51: {  	_ =	shalt  }
0x52: {  	_ =	shalt  }
0x53: {  	_ =	shalt  }
0x54: {  	_ =	shalt  }
0x55: {  	_ =	shalt  }
0x56: {  	_ =	shalt  }
0x57: {  	_ =	shalt  }
0x58: {  	_ =	shalt  }
0x59: {  	_ =	shalt  }
0x5a: {  	_ =	shalt  }
0x5b: {  	_ =	shalt  }
0x5c: {  	_ =	shalt  }
0x5d: {  	_ =	shalt  }
0x5e: {  	_ =	shalt  }
0x5f: {  	_ =	shalt  }
0x60: {  	_ =	shalt  }
0x61: {  	_ =	shalt  }
0x62: {  	_ =	shalt  }
0x63: {  	_ =	shalt  }
0x64: {  	_ =	shalt  }
0x65: {  	_ =	shalt  }
0x66: {  	_ =	shalt  }
0x67: {  	_ =	shalt  }
0x68: {  	_ =	shalt  }
0x69: {  	_ =	shalt  }
0x6a: {  	_ =	shalt  }
0x6b: {  	_ =	shalt  }
0x6c: {  	_ =	shalt  }
0x6d: {  	_ =	shalt  }
0x6e: {  	_ =	shalt  }
0x6f: {  	_ =	shalt  }
0x70: {  	_ =	shalt  }
0x71: {  	_ =	shalt  }
0x72: {  	_ =	shalt  }
0x73: {  	_ =	shalt  }
0x74: {  	_ =	shalt  }
0x75: {  	_ =	shalt  }
0x76: {  	_ =	shalt  }
0x77: {  	_ =	shalt  }
0x78: {  	_ =	shalt  }
0x79: {  	_ =	shalt  }
0x7a: {  	_ =	shalt  }
0x7b: {  	_ =	shalt  }
0x7c: {  	_ =	shalt  }
0x7d: {  	_ =	shalt  }
0x7e: {  	_ =	shalt  }
0x7f: {  	_ =	shalt  }
0x80: {  	_ =	shalt  }
0x81: {  	_ =	shalt  }
0x82: {  	_ =	shalt  }
0x83: {  	_ =	shalt  }
0x84: {  	_ =	shalt  }
0x85: {  	_ =	shalt  }
0x86: {  	_ =	shalt  }
0x87: {  	_ =	shalt  }
.Lfunc_end0:
.L_simem_size_0:
called_computation.1_lowered:
.L_overlay_start_0:
0x88: {  	s2 =	sld [smem:$0x3FD9]  }
0x89: {  	s3 =	sld [smem:$0x3FFE];
	_ =	sdelay $0x1  }
0x8a: {  	s1 =	srdreg.scid  }
0x8b: {  	s0 =	sand.u32 $0x1, s1  }
0x8c: {  	s16 =	sshll.u32 s0, $0xA;
	s2 =	sadd.s32 s3, s2  }
0x8d: {  	s2 =	sadd.s32 s2, s16  }
0x8e: {  	[smem:$0x3FBD] =	sst s2  }
0x8f: {  	_ = 	snop  }
0x90: {  	(tm) =	ssettm $0x1  }
0x91: {  	s17 =	sld [smem:$0x3FFB];
	_ =	sdelay $0x3  }
0x92: {  	_ =	strace s17  }
0x93: {  	s2 =	sld [smem:$0x3FFC];
	_ =	sdelay $0x3  }
0x94: {  	_ =	strace s2  }
0x95: {  	s2 =	sld [smem:$0x3FFD];
	_ =	sdelay $0x3  }
0x96: {  	_ =	strace s2  }
0x97: {  	_ =	strace $0x8FFFFFFF  }
0x98: {  	s18 =	sld [smem:$0x3FDB];
	_ =	sdelay $0x1  }
0x99: {  	s19 =	simm.s32 $_scs_section_size  }
0x9a: {  	s4 =	simm.s32 $_size__tile_overlayer_lowered;
	s5 =	simm.s32 $_tile_overlayer_lowered  }
0x9b: {  	s22 =	simm.s32 $0x1BFF;
	s21 =	sshll.u32 s5, $0x1;
	s2 =	sadd.s32 s19, s18  }
0x9c: {  	s6 =	simm.s32 $0x0;
	s20 =	sshll.u32 s4, $0x1;
	s4 =	sadd.s32 s21, s2  }
0x9d: {  	[timem:s6], [sflag:s22] =	dma.local [hbm:s4], s20  }
0x9e: {  	_ =	swait.ge [sflag:s22], s20  }
0x9f: {  	s3 =	ssub.s32 $0x0, s20;
	[sflag:s22] =	ssyncset.done $0x0  }
0xa0: {  	[sflag:s22] =	ssyncadd.s32 s3;
	_ =	sdelay $0x1  }
0xa1: {  	s23 =	simm.s32 $0x1B8B  }
0xa2: {  	_ =	swait.ge [sflag:s23], $0x1  }
0xa3: {  	[sflag:s23] =	ssyncset.done $0x0  }
0xa4: {  	s25 =	simm.s32 $0x1B8E;
	s24 =	sld [smem:$0x3FFE];
	[sflag:s23] =	ssyncadd.s32 $0xFFFFFFFF  }
0xa5: {  	s26 =	simm.s32 $execute0_lowered;
	[smem:$0x3FD2] =	sst s25  }
0xa6: {  	s4 =	sshll.u32 s26, $0x1;
	_ =	strace $0x80000049;
	[dreg:$0x1] =	wrdreg $0xFFFFFFFF  }
0xa7: {  	s28 =	simm.s32 $_size_execute0_lowered;
	s2 =	sadd.s32 s2, s4;
	[dreg:$0x0] =	wrdreg $0x0  }
0xa8: {  	s4 =	sshll.u32 s28, $0x1;
	[dreg:$0x2] =	wrdreg s2  }
0xa9: {  	[dreg:$0x3] =	wrdreg s4  }
0xaa: {  	[dreg:$0x4] =	wrdreg $0xC0  }
0xab: {  	_ =	task [dreg:s6], $0x5FFFF  }
0xac: {  	[dreg:$0x1] =	wrdreg $0xFFFFFFFF  }
0xad: {  	[dreg:$0x0] =	wrdreg $0x60  }
0xae: {  	[dreg:$0x2] =	wrdreg s24  }
0xaf: {  	[dreg:$0x3] =	wrdreg $0x12C400  }
0xb0: {  	[dreg:$0x4] =	wrdreg $0x9  }
0xb1: {  	_ =	task.clear_ibuf [dreg:s6], $0x5FFFF;
	_ =	strace $0x90000049  }
0xb2: {  	s29 =	simm.s32 $0x9;
	_ =	strace $0x8000004B  }
0xb3: {  	_ =	swait.ge [sflag:s29], $0x1  }
0xb4: {  	[sflag:s29] =	ssyncadd.s32 $0xFFFFFFFF  }
0xb5: {  	_ =	strace $0x9000004B  }
0xb6: {  	_ =	sfence  }
0xb7: {  	s30 =	sld [smem:$0x0];
	_ =	sdelay $0x2  }
0xb8: {  	s31 =	sshll.u32 s1, $0xD;
	s1 =	sshrl.u32 s1, $0x2  }
0xb9: {  	s3 =	sand.u32 $0x4000, s31;
	s1 =	sadd.s32 s1, s30  }
0xba: {  	s0 =	sor.u32 s3, s0;
	s1 =	sshll.u32 s1, $0x11  }
0xbb: {  	s0 =	sor.u32 s1, s0  }
0xbc: {  	s0 =	sadd.s32 $0x8F2B, s0  }
0xbd: {  	[sflag:s0] =	ssyncadd.remote.s32 $0x1  }
0xbe: {  	_ =	sfence.sel $0xFFFF  }
0xbf: {  	[dreg:$0x0] =	wrdreg $0xFFFFFFFF;
	(pc) =	sbr.abs _section_cstart, $3  }
0xc0: {  	[dreg:$0x1] =	wrdreg $0xFFFFFFFF  }
0xc1: {  	_ =	task.clear_ibuf [dreg:s6], $0x2FFFF;
	_ =	strace $0x9FFFFFFF  }
0xc2: {  	(tm) =	ssettm $0x7FFFFFFF  }
0xc3: {  	_ =	shalt  }
tec
execute0_lowered:
.L_overlay_start_1:
0x0: {  	(tag) =	ssettag $0x1  }
0x1: {  	s0 =	srdreg.scid  }
0x2: {  	s10 =	stileid.u32;
	s6 =	rddreg [dreg:$0x0]  }
0x3: {  	s2 =	rddreg [dreg:$0x1];
	s3 =	simm.s32 $0x0;
	s11 =	simm.s32 $0x7  }
0x4: {  	s13 =	simm.s32 $0xC0;
	s14 =	simm.s32 $0x9C40;
	s16 =	simm.s32 $0x6  }
0x5: {  	s17 =	simm.s32 $0x4;
	s18 =	simm.s32 $0x5;
	s19 =	simm.s32 $0x20  }
0x6: {  	s21 =	simm.s32 $0x1;
	s23 =	simm.s32 $0x10;
	s24 =	simm.s32 $0x8  }
0x7: {  	s25 =	simm.s32 $0x0;
	s0 =	sand.u32 $0x1, s0;
	s1 =	sshll.u32 s10, $0x1  }
0x8: {  	[smem:$0x7FF] =	sst s3;
	s7 =	smul.u32 $0x14000, s10;
	s4 =	sadd.s32 $0x2EC00, s6  }
0x9: {  	s8 =	smul.u32 $0x28000, s10;
	s30 =	sshll.u32 s10, $0x6;
	s1 =	sor.u32 s0, s1  }
0xa: {  	s5 =	smul.u32 $0x140000, s0;
	_ =	strace $0x8000004A;
	s0 =	ssub.s32 $0x2, s0  }
0xb: {  	s1 =	smul.u32 $0x9C4, s1;
	s28 =	sshrl.u32 s0, $0x1;
	s29 =	sshrl.u32 s8, $0x2  }
0xc: {  	s5 =	sadd.s32 s7, s5;
	s0 =	ssub.s32 s0, s28;
	s31 =	sadd.s32 s29, s2  }
0xd: {  	s1 =	sadd.s32 s1, s6;
	s7 =	sshrl.u32 s5, $0x3;
	s5 =	sadd.s32 $0x2A00, s6  }
0xe: {  	s10 =	sshrl.u32 s31, $0x3;
	s9 =	sadd.s32 s7, s6;
	s6 =	sor.u32 $0x1C07, s30  }
0xf: {  	s7 =	sadd.s32 $0x7A00, s1;
	s8 =	sadd.s32 $0x42C00, s9;
	s9 =	smax.u32 s0, $0x1  }
.LBB2_1:
0x10: {  	[spmem:s10], [sflag:s6] =	dma.local [hbm:s5], $0x1400  }
0x11: {  	_ =	swait.ge [sflag:s11], $0x1400  }
0x12: {  	[sflag:s11] =	ssyncset.done $0x0  }
0x13: {  	s29 =	simm.s32 $0x4E20;
	s0 =	simm.s32 $0x9C400;
	[sflag:s11] =	ssyncadd.s32 $0xFFFFEC00  }
0x14: {  	[tilespmem:s3], [sflag:$0x7] =	stream.strided.gather [hbm4b:s7+s29], $0x9C40, s0, s29, $0x38;
	[tilespmem:$0x1CC40] =	vst v63  }
0x15: {  	p0 =	por $0x0, $0x0;
	s0 =	simm.s32 $0x2  }
0x16: {  	_ =	swait.ge [sflag:s11], $0x9C40;
	s0 =	smul.u32 @!p0 $0xAB, s0  }
0x17: {  	[sflag:s11] =	ssyncset.done $0x0  }
0x18: {  	[sflag:s11] =	ssyncadd.s32 $0xFFFF63C0;
	s0 =	sshrl.u32 @!p0 s0, $0x9  }
0x19: {  	s20 =	smul.u32 $0xAB, s3;
	[bflag:$0x0] =	sbarrier.arrive $0xFFFF;
	s0 =	sand.u32 @!p0 $0x7F, s0  }
0x1a: {  	[tilespmem:s14], [sflag:$0x1] =	stream.indirect.gather [hbm4b:s4+s13], $0x40, s3, s13, $0xb8;
	[tilespmem:$0x1CC40] =	vst v63  }
0x1b: {  	s1 =	simm.s32 $0xCC40;
	s0 =	smul.u32 @!p0 $0x3, s0  }
0x1c: {  	[tilespmem:s1], [sflag:$0x2] =	stream.indirect.gather [hbm4b:s4+s13], $0x40, s13, s13, $0xb8;
	[tilespmem:$0x1CC40] =	vst v63  }
0x1d: {  	s28 =	simm.s32 $0x1;
	s12 =	simm.s32 @!p0 $0xC0;
	s1 =	sshrl.u32 s20, $0x9  }
0x1e: {  	p1 =	por @!p0 $0x1, $0x1;
	s0 =	ssub.s32 @!p0 $0x2, s0;
	s1 =	sand.u32 $0x7F, s1  }
0x1f: {  	p1 =	por p1, p0;
	s0 =	sand.u32 @!p0 $0xFF, s0;
	s1 =	smul.u32 $0x3, s1  }
0x20: {  	s31 =	simm.s32 @!p0 $0x180;
	s26 =	sadd.s32 @!p1 $0x4, s0;
	s30 =	smul.u32 @!p0 $0xC000, s0  }
0x21: {  	s0 =	sadd.s32 @!p0 $0x1, s0;
	_ =	swait.ge @!p1 [sflag:s26], $0x3000;
	s1 =	ssub.s32 $0x0, s1  }
0x22: {  	[sflag:s26] =	ssyncset.done @!p1 $0x0;
	s30 =	sshrl.u32 @!p0 s30, $0x2;
	s15 =	sand.u32 $0xFF, s1  }
0x23: {  	[sflag:s26] =	ssyncadd.s32 @!p1 $0xFFFFD000;
	s26 =	sadd.s32 @!p0 $0x9C40, s30;
	s30 =	simm.s32 $0x2  }
0x24: {  	[tilespmem:s26], [sflag:s0] =	stream.indirect.gather @!p0 [hbm4b:s4+s12], $0x40, s31, s12, $0xb8;
	[tilespmem:$0x1CC40] =	vst v63  }
0x25: {  	s1 =	sadd.s32 $0x1, s15;
	s22 =	smul.u32 $0xC000, s15;
	s0 =	sor.u32 $0x4, s15  }
0x26: {  	s26 =	simm.s32 $0x4EE0;
	s31 =	simm.s32 $0x3;
	_ =	swait.ge [sflag:s1], $0x3000  }
0x27: {  	p0 =	por $0x0, $0x0;
	[sflag:s1] =	ssyncset.done $0x0;
	s12 =	sshrl.u32 s22, $0x2  }
.LBB2_2:
0x28: {  	s15 =	smul.u32 @!p0 $0xAB, s31  }
0x29: {  	s12 =	sadd.s32 $0x9C40, s12;
	[sflag:s1] =	ssyncadd.s32 $0xFFFFD000;
	s1 =	smul.u32 $0xAB, s28  }
0x2a: {  	[spmem:s2] =	stream.indirect.scatter.add.f32 [tilespmem:s12], [sflag:s0], $0x40, s29, s13, $0xb8;
	[tilespmem:$0x1CC40] =	vst v63  }
0x2b: {  	s12 =	smov.u32 s30;
	s30 =	sadd.s32 $0x1, s30;
	s0 =	sshrl.u32 @!p0 s15, $0x9  }
0x2c: {  	p1 =	sne.s32 s30, $0x68;
	s1 =	sshrl.u32 s1, $0x9;
	s0 =	sand.u32 @!p0 $0x7F, s0  }
0x2d: {  	s29 =	smov.u32 s26;
	s1 =	sand.u32 $0x7F, s1;
	s0 =	smul.u32 @!p0 $0x3, s0  }
0x2e: {  	s15 =	simm.s32 @!p0 $0xC0;
	s1 =	smul.u32 $0x3, s1  }
0x2f: {  	p2 =	seq.s32 @!p0 s28, $0x0;
	s0 =	ssub.s32 @!p0 s31, s0  }
0x30: {  	p2 =	por p2, p0;
	s1 =	ssub.s32 s28, s1;
	s0 =	sand.u32 @!p0 $0xFF, s0  }
0x31: {  	s31 =	sadd.s32 @!p2 $0x4, s0;
	s20 =	smul.u32 @!p0 $0xC000, s0;
	s0 =	sadd.s32 @!p0 $0x1, s0  }
0x32: {  	s22 =	sadd.s32 @!p0 $0xFFFFB360, s26;
	s28 =	sand.u32 $0xFF, s1;
	_ =	swait.ge @!p2 [sflag:s31], $0x3000  }
0x33: {  	s1 =	sadd.s32 $0x1, s28;
	[sflag:s31] =	ssyncset.done @!p2 $0x0;
	s20 =	sshrl.u32 @!p0 s20, $0x2  }
.Ltmp0:
0x34: {  	[sflag:s31] =	ssyncadd.s32 @!p2 $0xFFFFD000;
	s20 =	sadd.s32 @!p0 $0x9C40, s20;
	(pc) =	sbr.rel @p1 .LBB2_2-.Ltmp0, $4  }
0x35: {  	[tilespmem:s20], [sflag:s0] =	stream.indirect.gather @!p0 [hbm4b:s4+s15], $0x40, s22, s15, $0xb8;
	[tilespmem:$0x1CC40] =	vst v63  }
0x36: {  	s15 =	smul.u32 $0xC000, s28;
	s0 =	sor.u32 $0x4, s28;
	_ =	swait.ge [sflag:s1], $0x3000  }
0x37: {  	s26 =	sadd.s32 $0xC0, s26;
	s28 =	smov.u32 s12;
	[sflag:s1] =	ssyncset.done $0x0  }
0x38: {  	s31 =	sadd.s32 $0x2, s28;
	p0 =	sgt.u32 s28, $0x65;
	s12 =	sshrl.u32 s15, $0x2  }
0x39: {  	[sflag:s1] =	ssyncadd.s32 $0xFFFFD000;
	s1 =	smul.u32 @!p0 $0xAB, s31;
	s12 =	sadd.s32 $0x9C40, s12  }
0x3a: {  	[spmem:s2] =	stream.indirect.scatter.add.f32 [tilespmem:s12], [sflag:s0], $0x40, s29, s13, $0xb8;
	[tilespmem:$0x1CC40] =	vst v63  }
0x3b: {  	s0 =	sshrl.u32 @!p0 s1, $0x9  }
0x3c: {  	s0 =	sand.u32 @!p0 $0x7F, s0  }
0x3d: {  	s0 =	smul.u32 @!p0 $0x3, s0  }
0x3e: {  	s15 =	smul.u32 $0xAB, s28  }
0x3f: {  	p1 =	seq.s32 @!p0 s28, $0x0;
	s0 =	ssub.s32 @!p0 s31, s0  }
0x40: {  	p1 =	por p1, p0;
	s1 =	sshrl.u32 s15, $0x9;
	s0 =	sand.u32 @!p0 $0xFF, s0  }
0x41: {  	s1 =	sand.u32 $0x7F, s1;
	s12 =	sadd.s32 @!p1 $0x4, s0;
	s15 =	smul.u32 @!p0 $0xC000, s0  }
0x42: {  	s20 =	simm.s32 @!p0 $0xC0;
	s1 =	smul.u32 $0x3, s1;
	_ =	swait.ge @!p1 [sflag:s12], $0x3000  }
0x43: {  	s0 =	sadd.s32 @!p0 $0x1, s0;
	[sflag:s12] =	ssyncset.done @!p1 $0x0;
	s15 =	sshrl.u32 @!p0 s15, $0x2  }
0x44: {  	[sflag:s12] =	ssyncadd.s32 @!p1 $0xFFFFD000;
	s12 =	sadd.s32 @!p0 $0xFFFFB360, s26;
	s15 =	sadd.s32 @!p0 $0x9C40, s15  }
0x45: {  	[tilespmem:s15], [sflag:s0] =	stream.indirect.gather @!p0 [hbm4b:s4+s20], $0x40, s12, s20, $0xb8;
	[tilespmem:$0x1CC40] =	vst v63  }
0x46: {  	s20 =	ssub.s32 s28, s1  }
0x47: {  	s0 =	sand.u32 $0xFF, s20  }
0x48: {  	s22 =	sadd.s32 $0x1, s0;
	s28 =	smul.u32 $0xC000, s0  }
0x49: {  	_ =	swait.ge [sflag:s22], $0x3000  }
0x4a: {  	[sflag:s22] =	ssyncset.done $0x0;
	s12 =	sshrl.u32 s28, $0x2  }
0x4b: {  	s0 =	sor.u32 $0x4, s0;
	[sflag:s22] =	ssyncadd.s32 $0xFFFFD000;
	s29 =	sadd.s32 $0x9C40, s12  }
0x4c: {  	[spmem:s2] =	stream.indirect.scatter.add.f32 [tilespmem:s29], [sflag:s0], $0x40, s26, s13, $0xb8;
	[tilespmem:$0x1CC40] =	vst v63  }
0x4d: {  	_ =	swait.ge [sflag:s16], $0x3000  }
0x4e: {  	[sflag:s16] =	ssyncset.done $0x0  }
0x4f: {  	[sflag:s16] =	ssyncadd.s32 $0xFFFFD000  }
0x50: {  	_ =	swait.ge [sflag:s17], $0x3000  }
0x51: {  	[sflag:s17] =	ssyncset.done $0x0  }
0x52: {  	[sflag:s17] =	ssyncadd.s32 $0xFFFFD000  }
0x53: {  	_ =	swait.ge [sflag:s18], $0x3000  }
0x54: {  	[sflag:s18] =	ssyncset.done $0x0  }
0x55: {  	s30 =	simm.s32 $0x4E00;
	[sflag:s18] =	ssyncadd.s32 $0xFFFFD000  }
0x56: {  	[tilespmem:s14], [sflag:$0x1] =	stream.indirect.gather [hbm4b:s4+s19], $0x40, s30, s19, $0xb8;
	[tilespmem:$0x1CC40] =	vst v63  }
0x57: {  	_ =	swait.ge [sflag:s21], $0x800  }
0x58: {  	[sflag:s21] =	ssyncset.done $0x0  }
0x59: {  	s31 =	simm.s32 $0x9C20;
	[sflag:s21] =	ssyncadd.s32 $0xFFFFF800  }
0x5a: {  	[spmem:s2] =	stream.indirect.scatter.add.f32 [tilespmem:s14], [sflag:$0x7], $0x40, s31, s19, $0xb8;
	[tilespmem:$0x1CC40] =	vst v63  }
0x5b: {  	_ =	swait.ge [sflag:s11], $0x800  }
0x5c: {  	s25 =	sadd.s32 $0x1, s25;
	[sflag:s11] =	ssyncset.done $0x0  }
0x5d: {  	p0 =	sne.s32 s25, s9;
	[sflag:s11] =	ssyncadd.s32 $0xFFFFF800  }
.Ltmp1:
0x5e: {  	[bflag:$0x0] =	sbarrier.arrive $0xFFFF;
	(pc) =	sbr.rel @p0 .LBB2_1-.Ltmp1, $4  }
0x5f: {  	[hbm:s8@s23], [sflag:s6] =	dma.strided [spmem:s10@s24], $0x1400, s21, $0x8   }
0x60: {  	_ =	swait.ge [sflag:s11], $0x1400  }
0x61: {  	[sflag:s11] =	ssyncset.done $0x0  }
0x62: {  	[sflag:s11] =	ssyncadd.s32 $0xFFFFEC00  }
0x63: {  	_ =	sfence.sel $0x180000  }
0x64: {  	[bflag:$0x0] =	sbarrier.arrive $0xFFFF  }
0x65: {  	_ =	strace $0x9000004A  }
0x66: {  	s0 =	stileid.u32;
	[bflag:$0x2] =	sbarrier.arrive $0xFFFF  }
0x67: {  	p0 =	sne.s32 s0, $0x0;
	s0 =	rddreg [dreg:$0x2]  }
0x68: {  	s0 =	sadd.s32 @!p0 $0x100000, s0  }
0x69: {  	[sflag:s0] =	ssyncadd.tile.s32 @!p0 $0x1;
	_ =	shalt  }
.Lfunc_end2:
_tile_overlayer_lowered:
.L_overlay_start_2:
0x6a: {  	(tag) =	ssettag $0x2  }
0x6b: {  	s0 =	rddreg [dreg:$0x0];
	s2 =	stileid.u32  }
0x6c: {  	s1 =	rddreg [dreg:$0x1];
	p0 =	sne.s32 s2, $0x0  }
0x6d: {  	s3 =	rddreg [dreg:$0x2];
	[bflag:$0x3] =	sbarrier.arrive $0xFFFF;
	s2 =	simm.s32 @!p0 $0x1C07  }
0x6e: {  	[timem:s3], [sflag:s2] =	dma.local @!p0 [hbm:s0], s1  }
0x6f: {  	s0 =	simm.s32 @!p0 $0x7  }
0x70: {  	_ =	swait.ge @!p0 [sflag:s0], s1  }
0x71: {  	s1 =	ssub.s32 @!p0 $0x0, s1;
	[sflag:s0] =	ssyncset.done @!p0 $0x0  }
0x72: {  	[sflag:s0] =	ssyncadd.s32 @!p0 s1  }
0x73: {  	[bflag:$0x3] =	sbarrier.arrive $0xFFFF  }
0x74: {  	_ =	shalt  }

// kernel: kernel.9.cloned.1.call-start
scs
__scs_entry_jumppad:
0x0: {  	(pc) =	sbr.rel $0x88, $3  }
0x1: {  	(tag) =	ssettag $0x0;
	lr =	simm.s32 $0x1  }
0x2: {  	[smem:$0x3F96] =	sst lr;
	_ =	strace $0xD0000000  }
0x3: {  	_ = 	snop  }
0x4: {  	_ = 	snop  }
0x5: {  	_ = 	snop  }
0x6: {  	_ = 	snop  }
0x7: {  	_ = 	snop  }
__scs_overlays_trampoline_lowered:
0x8: {  	[smem:$0x3FA5] =	sst s0  }
0x9: {  	[smem:$0x3FA6] =	sst s1  }
0xa: {  	[smem:$0x3FA7] =	sst s2  }
0xb: {  	[smem:$0x3FA8] =	sst s3  }
0xc: {  	[smem:$0x3FA9] =	sst s4  }
0xd: {  	[smem:$0x3FAA] =	sst s5  }
0xe: {  	[smem:$0x3FAB] =	sst s6  }
0xf: {  	[smem:$0x3FAC] =	sst s7  }
0x10: {  	[smem:$0x3FAD] =	sst s8  }
0x11: {  	[smem:$0x3FAE] =	sst s9;
	s0 =	simm.s32 @!p0 $0x0  }
0x12: {  	s1 =	sld [smem:$0x3F94];
	s0 =	simm.s32 @p0 $0x1  }
0x13: {  	[smem:$0x3FAF] =	sst s0;
	s0 =	simm.s32 @!p1 $0x0  }
0x14: {  	s2 =	sld [smem:$0x3F93];
	s0 =	simm.s32 @p1 $0x1  }
0x15: {  	[smem:$0x3FB0] =	sst s0;
	s0 =	simm.s32 @!p2 $0x0  }
0x16: {  	s3 =	sld [smem:$0x3FDB];
	s0 =	simm.s32 @p2 $0x1  }
0x17: {  	s4 =	simm.s32 $0x1BF5;
	[smem:$0x3FB2] =	sst s0  }
0x18: {  	s0 =	sld [smem:$0x3F95];
	_ =	swait.ge [sflag:s4], $0x0  }
0x19: {  	s7 =	sld [smem:$0x3F96]  }
0x1a: {  	s8 =	sadd.s32 $0xFFFFE003, lr  }
0x1b: {  	s9 =	sadd.s32 $0xFFFFFEF7, lr;
	s5 =	simm.s32 $0xFFFFFFFF;
	p2 =	slt.u32 s8, $0xFFFFF086  }
0x1c: {  	p1 =	slt.u32 s9, $0xF7A;
	s5 =	simm.s32 @!p2 $0x0  }
0x1d: {  	s5 =	simm.s32 @p1 $0x1;
	p0 =	seq.s32 s7, s2  }
0x1e: {  	s7 =	smul.u32 @!p0 $0xF7A, s2;
	p2 =	seq.s32 @!p0 s5, $0x0  }
0x1f: {  	s9 =	smul.u32 $0xF7A, s1;
	s8 =	simm.s32 @!p0 $0x1BF5;
	p2 =	por !p2, p0  }
0x20: {  	[sflag:s8] =	ssyncset.s32 @!p0 $0xFFFFF086;
	s6 =	sadd.s32 @!p0 s3, s7;
	s7 =	simm.s32 @!p0 $0x108  }
0x21: {  	s3 =	sadd.s32 s3, s9;
	s6 =	sadd.s32 @!p0 $0x88, s6;
	s7 =	simm.s32 @p2 $0x1082  }
0x22: {  	[simem:s7], [sflag:s8] =	dma.local @!p0 [hbm:s6], $0xF7A  }
0x23: {  	s9 =	sor.u32 $0xD0000000, s2;
	s6 =	simm.s32 $0x108;
	_ =	swait.ge @!p0 [sflag:s8], $0x0  }
0x24: {  	s3 =	sadd.s32 $0x88, s3;
	s6 =	simm.s32 @!p1 $0x1082;
	[sflag:s4] =	ssyncset.s32 $0xFFFFF086  }
0x25: {  	[simem:s6], [sflag:s4] =	dma.local [hbm:s3], $0xF7A  }
0x26: {  	[smem:$0x3F96] =	sst s1;
	(tag) =	ssettag s2;
	_ =	strace s9  }
0x27: {  	s1 =	sld [smem:$0x3FA6]  }
0x28: {  	s2 =	sld [smem:$0x3FA7]  }
0x29: {  	s4 =	sld [smem:$0x3FA9]  }
0x2a: {  	p0 =	seq.s32 s5, $0x0;
	s5 =	sld [smem:$0x3FAA]  }
0x2b: {  	s6 =	sld [smem:$0x3FAB]  }
0x2c: {  	s7 =	sld [smem:$0x3FAC]  }
0x2d: {  	s3 =	simm.s32 $0x108;
	s8 =	sld [smem:$0x3FAD]  }
0x2e: {  	s3 =	simm.s32 @!p0 $0x1082;
	s9 =	sld [smem:$0x3FAE]  }
0x2f: {  	lr =	sadd.s32 s0, s3;
	s0 =	sld [smem:$0x3FA5]  }
0x30: {  	s3 =	sld [smem:$0x3FA8]  }
0x31: {  	[smem:$0x3FB1] =	sst s10  }
0x32: {  	s10 =	sld [smem:$0x3FAF];
	_ =	sdelay $0x3  }
0x33: {  	p0 =	seq.s32 s10, $0x1;
	s10 =	sld [smem:$0x3FB1];
	_ =	sdelay $0x3  }
0x34: {  	[smem:$0x3FB1] =	sst s10  }
0x35: {  	s10 =	sld [smem:$0x3FB0];
	_ =	sdelay $0x3  }
0x36: {  	p1 =	seq.s32 s10, $0x1;
	s10 =	sld [smem:$0x3FB1];
	_ =	sdelay $0x3  }
0x37: {  	[smem:$0x3FB1] =	sst s10  }
0x38: {  	s10 =	sld [smem:$0x3FB2]  }
0x39: {  	_ = 	snop;
	(pc) =	sbr.ind lr, $3  }
0x3a: {  	_ = 	snop  }
0x3b: {  	_ = 	snop  }
0x3c: {  	p2 =	seq.s32 s10, $0x1;
	s10 =	sld [smem:$0x3FB1]  }
0x3d: {  	_ =	shalt  }
0x3e: {  	_ =	shalt  }
0x3f: {  	_ =	shalt  }
0x40: {  	_ =	shalt  }
0x41: {  	_ =	shalt  }
0x42: {  	_ =	shalt  }
0x43: {  	_ =	shalt  }
0x44: {  	_ =	shalt  }
0x45: {  	_ =	shalt  }
0x46: {  	_ =	shalt  }
0x47: {  	_ =	shalt  }
0x48: {  	_ =	shalt  }
0x49: {  	_ =	shalt  }
0x4a: {  	_ =	shalt  }
0x4b: {  	_ =	shalt  }
0x4c: {  	_ =	shalt  }
0x4d: {  	_ =	shalt  }
0x4e: {  	_ =	shalt  }
0x4f: {  	_ =	shalt  }
0x50: {  	_ =	shalt  }
0x51: {  	_ =	shalt  }
0x52: {  	_ =	shalt  }
0x53: {  	_ =	shalt  }
0x54: {  	_ =	shalt  }
0x55: {  	_ =	shalt  }
0x56: {  	_ =	shalt  }
0x57: {  	_ =	shalt  }
0x58: {  	_ =	shalt  }
0x59: {  	_ =	shalt  }
0x5a: {  	_ =	shalt  }
0x5b: {  	_ =	shalt  }
0x5c: {  	_ =	shalt  }
0x5d: {  	_ =	shalt  }
0x5e: {  	_ =	shalt  }
0x5f: {  	_ =	shalt  }
0x60: {  	_ =	shalt  }
0x61: {  	_ =	shalt  }
0x62: {  	_ =	shalt  }
0x63: {  	_ =	shalt  }
0x64: {  	_ =	shalt  }
0x65: {  	_ =	shalt  }
0x66: {  	_ =	shalt  }
0x67: {  	_ =	shalt  }
0x68: {  	_ =	shalt  }
0x69: {  	_ =	shalt  }
0x6a: {  	_ =	shalt  }
0x6b: {  	_ =	shalt  }
0x6c: {  	_ =	shalt  }
0x6d: {  	_ =	shalt  }
0x6e: {  	_ =	shalt  }
0x6f: {  	_ =	shalt  }
0x70: {  	_ =	shalt  }
0x71: {  	_ =	shalt  }
0x72: {  	_ =	shalt  }
0x73: {  	_ =	shalt  }
0x74: {  	_ =	shalt  }
0x75: {  	_ =	shalt  }
0x76: {  	_ =	shalt  }
0x77: {  	_ =	shalt  }
0x78: {  	_ =	shalt  }
0x79: {  	_ =	shalt  }
0x7a: {  	_ =	shalt  }
0x7b: {  	_ =	shalt  }
0x7c: {  	_ =	shalt  }
0x7d: {  	_ =	shalt  }
0x7e: {  	_ =	shalt  }
0x7f: {  	_ =	shalt  }
0x80: {  	_ =	shalt  }
0x81: {  	_ =	shalt  }
0x82: {  	_ =	shalt  }
0x83: {  	_ =	shalt  }
0x84: {  	_ =	shalt  }
0x85: {  	_ =	shalt  }
0x86: {  	_ =	shalt  }
0x87: {  	_ =	shalt  }
.Lfunc_end0:
.L_simem_size_0:
called_computation_lowered:
.L_overlay_start_0:
0x88: {  	s2 =	sld [smem:$0x3FD9]  }
0x89: {  	s3 =	sld [smem:$0x3FFE];
	_ =	sdelay $0x1  }
0x8a: {  	s1 =	srdreg.scid  }
0x8b: {  	s0 =	sand.u32 $0x1, s1  }
0x8c: {  	s16 =	sshll.u32 s0, $0xA;
	s2 =	sadd.s32 s3, s2  }
0x8d: {  	s2 =	sadd.s32 s2, s16  }
0x8e: {  	[smem:$0x3FBD] =	sst s2  }
0x8f: {  	_ = 	snop  }
0x90: {  	(tm) =	ssettm $0x1  }
0x91: {  	s17 =	sld [smem:$0x3FFB];
	_ =	sdelay $0x3  }
0x92: {  	_ =	strace s17  }
0x93: {  	s2 =	sld [smem:$0x3FFC];
	_ =	sdelay $0x3  }
0x94: {  	_ =	strace s2  }
0x95: {  	s2 =	sld [smem:$0x3FFD];
	_ =	sdelay $0x3  }
0x96: {  	_ =	strace s2  }
0x97: {  	_ =	strace $0x8FFFFFFF  }
0x98: {  	s18 =	sld [smem:$0x3FDB];
	_ =	sdelay $0x1  }
0x99: {  	s19 =	simm.s32 $_scs_section_size  }
0x9a: {  	s4 =	simm.s32 $_size__tile_overlayer_lowered;
	s5 =	simm.s32 $_tile_overlayer_lowered  }
0x9b: {  	s22 =	simm.s32 $0x1BFF;
	s21 =	sshll.u32 s5, $0x1;
	s2 =	sadd.s32 s19, s18  }
0x9c: {  	s6 =	simm.s32 $0x0;
	s20 =	sshll.u32 s4, $0x1;
	s4 =	sadd.s32 s21, s2  }
0x9d: {  	[timem:s6], [sflag:s22] =	dma.local [hbm:s4], s20  }
0x9e: {  	_ =	swait.ge [sflag:s22], s20  }
0x9f: {  	s3 =	ssub.s32 $0x0, s20;
	[sflag:s22] =	ssyncset.done $0x0  }
0xa0: {  	[sflag:s22] =	ssyncadd.s32 s3;
	_ =	sdelay $0x1  }
0xa1: {  	s23 =	simm.s32 $0x1B8B  }
0xa2: {  	_ =	swait.ge [sflag:s23], $0x1  }
0xa3: {  	[sflag:s23] =	ssyncset.done $0x0  }
0xa4: {  	s25 =	simm.s32 $0x1B8E;
	s24 =	sld [smem:$0x3FFE];
	[sflag:s23] =	ssyncadd.s32 $0xFFFFFFFF  }
0xa5: {  	s26 =	simm.s32 $execute0_lowered;
	[smem:$0x3FD2] =	sst s25  }
0xa6: {  	s4 =	sshll.u32 s26, $0x1;
	_ =	strace $0x80000046;
	[dreg:$0x1] =	wrdreg $0xFFFFFFFF  }
0xa7: {  	s28 =	simm.s32 $_size_execute0_lowered;
	s2 =	sadd.s32 s2, s4;
	[dreg:$0x0] =	wrdreg $0x0  }
0xa8: {  	s4 =	sshll.u32 s28, $0x1;
	[dreg:$0x2] =	wrdreg s2  }
0xa9: {  	[dreg:$0x3] =	wrdreg s4  }
0xaa: {  	[dreg:$0x4] =	wrdreg $0xC0  }
0xab: {  	_ =	task [dreg:s6], $0x5FFFF  }
0xac: {  	[dreg:$0x1] =	wrdreg $0xFFFFFFFF  }
0xad: {  	[dreg:$0x0] =	wrdreg $0x60  }
0xae: {  	[dreg:$0x2] =	wrdreg s24  }
0xaf: {  	[dreg:$0x3] =	wrdreg $0x19C400  }
0xb0: {  	[dreg:$0x4] =	wrdreg $0x9  }
0xb1: {  	_ =	task.clear_ibuf [dreg:s6], $0x5FFFF;
	_ =	strace $0x90000046  }
0xb2: {  	s29 =	simm.s32 $0x9;
	_ =	strace $0x80000048  }
0xb3: {  	_ =	swait.ge [sflag:s29], $0x1  }
0xb4: {  	[sflag:s29] =	ssyncadd.s32 $0xFFFFFFFF  }
0xb5: {  	_ =	strace $0x90000048  }
0xb6: {  	_ =	sfence  }
0xb7: {  	s30 =	sld [smem:$0x0];
	_ =	sdelay $0x2  }
0xb8: {  	s31 =	sshll.u32 s1, $0xD;
	s1 =	sshrl.u32 s1, $0x2  }
0xb9: {  	s3 =	sand.u32 $0x4000, s31;
	s1 =	sadd.s32 s1, s30  }
0xba: {  	s0 =	sor.u32 s3, s0;
	s1 =	sshll.u32 s1, $0x11  }
0xbb: {  	s0 =	sor.u32 s1, s0  }
0xbc: {  	s0 =	sadd.s32 $0x8F2B, s0  }
0xbd: {  	[sflag:s0] =	ssyncadd.remote.s32 $0x1  }
0xbe: {  	_ =	sfence.sel $0xFFFF  }
0xbf: {  	[dreg:$0x0] =	wrdreg $0xFFFFFFFF;
	(pc) =	sbr.abs _section_cstart, $3  }
0xc0: {  	[dreg:$0x1] =	wrdreg $0xFFFFFFFF  }
0xc1: {  	_ =	task.clear_ibuf [dreg:s6], $0x2FFFF;
	_ =	strace $0x9FFFFFFF  }
0xc2: {  	(tm) =	ssettm $0x7FFFFFFF  }
0xc3: {  	_ =	shalt  }
tec
execute0_lowered:
.L_overlay_start_1:
0x0: {  	(tag) =	ssettag $0x1  }
0x1: {  	s0 =	srdreg.scid;
	s3 =	rddreg [dreg:$0x0]  }
0x2: {  	s7 =	stileid.u32;
	s2 =	rddreg [dreg:$0x1]  }
0x3: {  	s4 =	simm.s32 $0x0;
	s11 =	simm.s32 $0x11;
	s14 =	simm.s32 $0x200  }
0x4: {  	s15 =	simm.s32 $0x9C40;
	s21 =	simm.s32 $0x10;
	s22 =	simm.s32 $0x9  }
0x5: {  	s28 =	simm.s32 $0xC;
	s29 =	simm.s32 $0xD;
	s30 =	simm.s32 $0xE  }
0x6: {  	s13 =	simm.s32 $0x0;
	s0 =	sand.u32 $0x1, s0;
	s1 =	sshll.u32 s7, $0x1  }
0x7: {  	[smem:$0x7FF] =	sst s4;
	s6 =	smul.u32 $0x14000, s7;
	s4 =	sadd.s32 $0x2A00, s3  }
0x8: {  	s23 =	smul.u32 $0xA000, s7;
	s8 =	sadd.s32 $0x2EC00, s3;
	s26 =	sshll.u32 s7, $0x6  }
0x9: {  	s1 =	sor.u32 s0, s1;
	s5 =	smul.u32 $0x140000, s0;
	_ =	strace $0x80000047  }
0xa: {  	[dreg:$0x3] =	wrdreg s8;
	s0 =	ssub.s32 $0x2, s0;
	s1 =	smul.u32 $0x9C4, s1  }
0xb: {  	s24 =	sshrl.u32 s0, $0x1;
	s5 =	sadd.s32 s6, s5;
	s6 =	sshrl.u32 s23, $0x2  }
0xc: {  	s0 =	ssub.s32 s0, s24;
	s23 =	simm.s32 $0x1;
	s24 =	simm.s32 $0xA  }
0xd: {  	s1 =	sadd.s32 s1, s3;
	s5 =	sshrl.u32 s5, $0x3;
	s25 =	sadd.s32 s6, s2  }
0xe: {  	s6 =	sor.u32 $0x1C11, s26;
	s0 =	smax.u32 s0, $0x1;
	s26 =	simm.s32 $0x2  }
0xf: {  	s3 =	sadd.s32 s5, s3;
	s1 =	sadd.s32 $0x7A00, s1;
	[dreg:$0x6] =	wrdreg s0  }
0x10: {  	s10 =	sshrl.u32 s25, $0x3;
	[dreg:$0x4] =	wrdreg s1;
	s31 =	sadd.s32 $0x2F200, s3  }
0x11: {  	s25 =	simm.s32 $0xB;
	s1 =	simm.s32 $0xF;
	[dreg:$0x5] =	wrdreg s31  }
.LBB2_1:
0x12: {  	s0 =	rddreg [dreg:$0x3]  }
0x13: {  	[spmem:s10], [sflag:s6] =	dma.local [hbm:s0], $0x500  }
0x14: {  	_ =	swait.ge [sflag:s11], $0x500  }
0x15: {  	s9 =	simm.s32 $0x0;
	s5 =	simm.s32 $0x4E20;
	[sflag:s11] =	ssyncset.done $0x0  }
0x16: {  	s7 =	simm.s32 $0x9C400;
	s3 =	rddreg [dreg:$0x4];
	[sflag:s11] =	ssyncadd.s32 $0xFFFFFB00  }
0x17: {  	[tilespmem:s9], [sflag:$0x11] =	stream.strided.gather [hbm4b:s3+s5], $0x9C40, s7, s5, $0x38;
	[tilespmem:$0x1C440] =	vst v63  }
0x18: {  	_ =	swait.ge [sflag:s11], $0x9C40  }
0x19: {  	[sflag:s11] =	ssyncset.done $0x0  }
0x1a: {  	[sflag:s11] =	ssyncadd.s32 $0xFFFF63C0  }
0x1b: {  	[bflag:$0x0] =	sbarrier.arrive $0xFFFF  }
0x1c: {  	[tilespmem:s15], [sflag:$0x1] =	stream.indirect.gather [hbm4b:s4+s14], $0x10, s9, s14, $0xb8;
	[tilespmem:$0x1C440] =	vst v63  }
0x1d: {  	s12 =	simm.s32 $0xBC40  }
0x1e: {  	[tilespmem:s12], [sflag:$0x2] =	stream.indirect.gather [hbm4b:s4+s14], $0x10, s14, s14, $0xb8;
	[tilespmem:$0x1C440] =	vst v63  }
0x1f: {  	s16 =	simm.s32 $0x400;
	s7 =	simm.s32 $0xDC40  }
0x20: {  	[tilespmem:s7], [sflag:$0x3] =	stream.indirect.gather [hbm4b:s4+s14], $0x10, s16, s14, $0xb8;
	[tilespmem:$0x1C440] =	vst v63  }
0x21: {  	s17 =	simm.s32 $0x600;
	s8 =	simm.s32 $0xFC40  }
0x22: {  	[tilespmem:s8], [sflag:$0x4] =	stream.indirect.gather [hbm4b:s4+s14], $0x10, s17, s14, $0xb8;
	[tilespmem:$0x1C440] =	vst v63  }
0x23: {  	s18 =	simm.s32 $0x800;
	s9 =	simm.s32 $0x11C40  }
0x24: {  	[tilespmem:s9], [sflag:$0x5] =	stream.indirect.gather [hbm4b:s4+s14], $0x10, s18, s14, $0xb8;
	[tilespmem:$0x1C440] =	vst v63  }
0x25: {  	_ =	swait.ge [sflag:s23], $0x2000  }
0x26: {  	[sflag:s23] =	ssyncset.done $0x0  }
0x27: {  	[sflag:s23] =	ssyncadd.s32 $0xFFFFE000  }
0x28: {  	[spmem:s2] =	stream.indirect.scatter.add.f32 [tilespmem:s15], [sflag:$0x9], $0x10, s5, s14, $0xb8;
	[tilespmem:$0x1C440] =	vst v63  }
0x29: {  	s19 =	simm.s32 $0xA00;
	s20 =	simm.s32 $0x13C40  }
0x2a: {  	[tilespmem:s20], [sflag:$0x6] =	stream.indirect.gather [hbm4b:s4+s14], $0x10, s19, s14, $0xb8;
	[tilespmem:$0x1C440] =	vst v63  }
0x2b: {  	_ =	swait.ge [sflag:s26], $0x2000  }
0x2c: {  	[sflag:s26] =	ssyncset.done $0x0  }
0x2d: {  	s31 =	simm.s32 $0x5020;
	[sflag:s26] =	ssyncadd.s32 $0xFFFFE000  }
0x2e: {  	[spmem:s2] =	stream.indirect.scatter.add.f32 [tilespmem:s12], [sflag:$0xA], $0x10, s31, s14, $0xb8;
	[tilespmem:$0x1C440] =	vst v63  }
0x2f: {  	s9 =	simm.s32 $0x15C40;
	s5 =	simm.s32 $0xC00;
	s12 =	simm.s32 $0x3  }
0x30: {  	[tilespmem:s9], [sflag:$0x7] =	stream.indirect.gather [hbm4b:s4+s14], $0x10, s5, s14, $0xb8;
	[tilespmem:$0x1C440] =	vst v63  }
0x31: {  	p0 =	por $0x0, $0x0;
	s3 =	simm.s32 $0x8;
	_ =	swait.ge [sflag:s12], $0x2000  }
0x32: {  	s3 =	sand.u32 @!p0 $0x7, s3;
	s16 =	simm.s32 $0x5220;
	[sflag:s12] =	ssyncset.done $0x0  }
0x33: {  	s17 =	simm.s32 $0xE00;
	s18 =	simm.s32 $0x17C40;
	[sflag:s12] =	ssyncadd.s32 $0xFFFFE000  }
0x34: {  	[spmem:s2] =	stream.indirect.scatter.add.f32 [tilespmem:s7], [sflag:$0xB], $0x10, s16, s14, $0xb8;
	[tilespmem:$0x1C440] =	vst v63  }
0x35: {  	s19 =	simm.s32 $0x4;
	s20 =	simm.s32 $0x5420;
	s31 =	simm.s32 $0x4  }
0x36: {  	[tilespmem:s18], [sflag:$0x8] =	stream.indirect.gather [hbm4b:s4+s14], $0x10, s17, s14, $0xb8;
	[tilespmem:$0x1C440] =	vst v63  }
0x37: {  	s9 =	simm.s32 $0x5620;
	s5 =	sadd.s32 @!p0 $0x9, s3;
	_ =	swait.ge [sflag:s19], $0x2000  }
0x38: {  	s12 =	simm.s32 $0x9;
	s7 =	sshll.u32 @!p0 s3, $0xD;
	[sflag:s19] =	ssyncset.done $0x0  }
0x39: {  	s3 =	sadd.s32 @!p0 $0x1, s3;
	s18 =	sand.u32 $0x7, s31;
	[sflag:s19] =	ssyncadd.s32 $0xFFFFE000  }
0x3a: {  	[spmem:s2] =	stream.indirect.scatter.add.f32 [tilespmem:s8], [sflag:$0xC], $0x10, s20, s14, $0xb8;
	[tilespmem:$0x1C440] =	vst v63  }
0x3b: {  	s7 =	sadd.s32 @!p0 $0x9C40, s7;
	s16 =	sadd.s32 $0x1, s18;
	_ =	swait.ge @!p0 [sflag:s5], $0x2000  }
0x3c: {  	s19 =	simm.s32 $0x5820;
	s8 =	simm.s32 @!p0 $0x200;
	[sflag:s5] =	ssyncset.done @!p0 $0x0  }
0x3d: {  	s20 =	sshll.u32 s18, $0xD;
	[sflag:s5] =	ssyncadd.s32 @!p0 $0xFFFFE000;
	s5 =	simm.s32 @!p0 $0x1000  }
0x3e: {  	[tilespmem:s7], [sflag:s3] =	stream.indirect.gather @!p0 [hbm4b:s4+s8], $0x10, s5, s8, $0xb8;
	[tilespmem:$0x1C440] =	vst v63  }
0x3f: {  	s18 =	sadd.s32 $0x9, s18;
	s5 =	simm.s32 $0x5;
	_ =	swait.ge [sflag:s16], $0x2000  }
0x40: {  	s8 =	simm.s32 $0xA;
	s3 =	sand.u32 $0x7, s5;
	[sflag:s16] =	ssyncset.done $0x0  }
0x41: {  	s7 =	sshll.u32 s3, $0xD;
	[sflag:s16] =	ssyncadd.s32 $0xFFFFE000;
	s16 =	sadd.s32 $0x9C40, s20  }
.LBB2_2:
0x42: {  	[spmem:s2] =	stream.indirect.scatter.add.f32 [tilespmem:s16], [sflag:s18], $0x10, s9, s14, $0xb8;
	[tilespmem:$0x1C440] =	vst v63  }
0x43: {  	s9 =	smov.u32 s8;
	s18 =	smov.u32 s3;
	s16 =	smov.u32 s7  }
0x44: {  	s8 =	sadd.s32 $0x1, s8;
	p1 =	sgt.u32 s5, $0x22;
	s5 =	sadd.s32 $0xFFFFFFFC, s9  }
0x45: {  	p0 =	sne.s32 s8, $0x2B;
	s7 =	sand.u32 @!p1 $0x7, s12;
	s3 =	sand.u32 $0x7, s5  }
0x46: {  	s12 =	sadd.s32 @!p1 $0x9, s7;
	s20 =	sshll.u32 @!p1 s7, $0xD;
	s0 =	sadd.s32 @!p1 $0x1, s7  }
0x47: {  	s7 =	sshll.u32 s3, $0xD;
	s20 =	sadd.s32 @!p1 $0x9C40, s20;
	_ =	swait.ge @!p1 [sflag:s12], $0x2000  }
0x48: {  	s31 =	simm.s32 @!p1 $0x200;
	s17 =	sadd.s32 $0x1, s18;
	[sflag:s12] =	ssyncset.done @!p1 $0x0  }
.Ltmp0:
0x49: {  	[sflag:s12] =	ssyncadd.s32 @!p1 $0xFFFFE000;
	s12 =	sadd.s32 @!p1 $0xFFFFB9E0, s19;
	(pc) =	sbr.rel @p0 .LBB2_2-.Ltmp0, $4  }
0x4a: {  	[tilespmem:s20], [sflag:s0] =	stream.indirect.gather @!p1 [hbm4b:s4+s31], $0x10, s12, s31, $0xb8;
	[tilespmem:$0x1C440] =	vst v63  }
0x4b: {  	s12 =	smov.u32 s9;
	s9 =	smov.u32 s19;
	_ =	swait.ge [sflag:s17], $0x2000  }
0x4c: {  	s19 =	sadd.s32 $0x200, s19;
	[sflag:s17] =	ssyncset.done $0x0  }
0x4d: {  	s16 =	sadd.s32 $0x9C40, s16;
	s18 =	sadd.s32 $0x9, s18;
	[sflag:s17] =	ssyncadd.s32 $0xFFFFE000  }
0x4e: {  	[spmem:s2] =	stream.indirect.scatter.add.f32 [tilespmem:s16], [sflag:s18], $0x10, s9, s14, $0xb8;
	[tilespmem:$0x1C440] =	vst v63  }
0x4f: {  	p0 =	sgt.u32 s5, $0x22  }
0x50: {  	s0 =	sand.u32 @!p0 $0x7, s12  }
0x51: {  	s5 =	sadd.s32 @!p0 $0x9, s0  }
0x52: {  	s9 =	simm.s32 @!p0 $0x200;
	_ =	swait.ge @!p0 [sflag:s5], $0x2000  }
0x53: {  	s8 =	sshll.u32 @!p0 s0, $0xD;
	s0 =	sadd.s32 @!p0 $0x1, s0;
	[sflag:s5] =	ssyncset.done @!p0 $0x0  }
0x54: {  	s8 =	sadd.s32 @!p0 $0x9C40, s8;
	[sflag:s5] =	ssyncadd.s32 @!p0 $0xFFFFE000;
	s5 =	sadd.s32 @!p0 $0xFFFFB9E0, s19  }
0x55: {  	[tilespmem:s8], [sflag:s0] =	stream.indirect.gather @!p0 [hbm4b:s4+s9], $0x10, s5, s9, $0xb8;
	[tilespmem:$0x1C440] =	vst v63  }
0x56: {  	s9 =	sadd.s32 $0x1, s3  }
0x57: {  	_ =	swait.ge [sflag:s9], $0x2000  }
0x58: {  	[sflag:s9] =	ssyncset.done $0x0  }
0x59: {  	s16 =	sadd.s32 $0x9, s3;
	s12 =	sadd.s32 $0x9C40, s7;
	[sflag:s9] =	ssyncadd.s32 $0xFFFFE000  }
0x5a: {  	[spmem:s2] =	stream.indirect.scatter.add.f32 [tilespmem:s12], [sflag:s16], $0x10, s19, s14, $0xb8;
	[tilespmem:$0x1C440] =	vst v63  }
0x5b: {  	_ =	swait.ge [sflag:s21], $0x2000  }
0x5c: {  	[sflag:s21] =	ssyncset.done $0x0  }
0x5d: {  	[sflag:s21] =	ssyncadd.s32 $0xFFFFE000  }
0x5e: {  	_ =	swait.ge [sflag:s22], $0x2000  }
0x5f: {  	[sflag:s22] =	ssyncset.done $0x0  }
0x60: {  	[sflag:s22] =	ssyncadd.s32 $0xFFFFE000  }
0x61: {  	_ =	swait.ge [sflag:s24], $0x2000  }
0x62: {  	[sflag:s24] =	ssyncset.done $0x0  }
0x63: {  	[sflag:s24] =	ssyncadd.s32 $0xFFFFE000  }
0x64: {  	_ =	swait.ge [sflag:s25], $0x2000  }
0x65: {  	[sflag:s25] =	ssyncset.done $0x0  }
0x66: {  	[sflag:s25] =	ssyncadd.s32 $0xFFFFE000  }
0x67: {  	_ =	swait.ge [sflag:s28], $0x2000  }
0x68: {  	[sflag:s28] =	ssyncset.done $0x0  }
0x69: {  	[sflag:s28] =	ssyncadd.s32 $0xFFFFE000  }
0x6a: {  	_ =	swait.ge [sflag:s29], $0x2000  }
0x6b: {  	[sflag:s29] =	ssyncset.done $0x0  }
0x6c: {  	[sflag:s29] =	ssyncadd.s32 $0xFFFFE000  }
0x6d: {  	_ =	swait.ge [sflag:s30], $0x2000  }
0x6e: {  	[sflag:s30] =	ssyncset.done $0x0  }
0x6f: {  	[sflag:s30] =	ssyncadd.s32 $0xFFFFE000  }
0x70: {  	_ =	swait.ge [sflag:s1], $0x2000  }
0x71: {  	[sflag:s1] =	ssyncset.done $0x0  }
0x72: {  	s17 =	simm.s32 $0x20;
	s18 =	simm.s32 $0x4E00;
	[sflag:s1] =	ssyncadd.s32 $0xFFFFE000  }
0x73: {  	[tilespmem:s15], [sflag:$0x1] =	stream.indirect.gather [hbm4b:s4+s17], $0x10, s18, s17, $0xb8;
	[tilespmem:$0x1C440] =	vst v63  }
0x74: {  	_ =	swait.ge [sflag:s23], $0x200  }
0x75: {  	[sflag:s23] =	ssyncset.done $0x0  }
0x76: {  	s19 =	simm.s32 $0x9C20;
	[sflag:s23] =	ssyncadd.s32 $0xFFFFFE00  }
0x77: {  	[spmem:s2] =	stream.indirect.scatter.add.f32 [tilespmem:s15], [sflag:$0x11], $0x10, s19, s17, $0xb8;
	[tilespmem:$0x1C440] =	vst v63  }
0x78: {  	_ =	swait.ge [sflag:s11], $0x200  }
0x79: {  	[sflag:s11] =	ssyncset.done $0x0  }
0x7a: {  	[sflag:s11] =	ssyncadd.s32 $0xFFFFFE00  }
0x7b: {  	[bflag:$0x0] =	sbarrier.arrive $0xFFFF  }
0x7c: {  	s20 =	rddreg [dreg:$0x5]  }
0x7d: {  	[hbm:s20@s21], [sflag:s6] =	dma.strided [spmem:s10@s26], $0x500, s23, $0x2   }
0x7e: {  	_ =	swait.ge [sflag:s11], $0x500  }
0x7f: {  	s13 =	sadd.s32 $0x1, s13;
	s31 =	rddreg [dreg:$0x6]  }
0x80: {  	p0 =	sne.s32 s13, s31  }
.Ltmp1:
0x81: {  	_ = 	snop;
	(pc) =	sbr.rel @p0 .LBB2_1-.Ltmp1, $3  }
0x82: {  	_ =	sdelay $0x1  }
0x83: {  	[sflag:s11] =	ssyncset.done $0x0  }
0x84: {  	[sflag:s11] =	ssyncadd.s32 $0xFFFFFB00  }
0x85: {  	_ =	sfence.sel $0x180000  }
0x86: {  	[bflag:$0x0] =	sbarrier.arrive $0xFFFF  }
0x87: {  	_ =	strace $0x90000047  }
0x88: {  	s0 =	stileid.u32;
	[bflag:$0x2] =	sbarrier.arrive $0xFFFF  }
0x89: {  	p0 =	sne.s32 s0, $0x0;
	s0 =	rddreg [dreg:$0x2]  }
0x8a: {  	s0 =	sadd.s32 @!p0 $0x100000, s0  }
0x8b: {  	[sflag:s0] =	ssyncadd.tile.s32 @!p0 $0x1;
	_ =	shalt  }
.Lfunc_end2:
_tile_overlayer_lowered:
.L_overlay_start_2:
0x8c: {  	(tag) =	ssettag $0x2  }
0x8d: {  	s0 =	rddreg [dreg:$0x0];
	s2 =	stileid.u32  }
0x8e: {  	s1 =	rddreg [dreg:$0x1];
	p0 =	sne.s32 s2, $0x0  }
0x8f: {  	s3 =	rddreg [dreg:$0x2];
	[bflag:$0x3] =	sbarrier.arrive $0xFFFF;
	s2 =	simm.s32 @!p0 $0x1C11  }
0x90: {  	[timem:s3], [sflag:s2] =	dma.local @!p0 [hbm:s0], s1  }
0x91: {  	s0 =	simm.s32 @!p0 $0x11  }
0x92: {  	_ =	swait.ge @!p0 [sflag:s0], s1  }
0x93: {  	s1 =	ssub.s32 @!p0 $0x0, s1;
	[sflag:s0] =	ssyncset.done @!p0 $0x0  }
0x94: {  	[sflag:s0] =	ssyncadd.s32 @!p0 s1  }
0x95: {  	[bflag:$0x3] =	sbarrier.arrive $0xFFFF  }
0x96: {  	_ =	shalt  }

</sc_bundles>
